<compile_context>
chip_gen: v7x
topology: tpu7x:2x2x1
jax: 0.10.2.dev20260603
libtpu: 0.0.44.dev20260713+nightly
codegen_flags: <defaults>
</compile_context>

<pallas_src>
import functools

import jax
import jax.numpy as jnp
from jax import lax
from jax.experimental import pallas as pl
from jax.experimental.pallas import tpu as pltpu
from jax.experimental.pallas import tpu_sc as plsc

NUM_TOKENS = 1000000
DIM = 64
BATCH = 4096
SEQ = 200

NC = 2
NS = 16
NW = NC * NS

TOTAL = BATCH * SEQ
IPG = 128
NIROW = TOTAL // IPG
IR_PW = NIROW // NW
BBLK = BATCH // IPG
DEPTH = 4

_mesh = plsc.VectorSubcoreMesh(core_axis_name="c", subcore_axis_name="s")


@functools.partial(
    pl.kernel,
    out_type=jax.ShapeDtypeStruct((SEQ, DIM // 8, BBLK, 8, IPG), jnp.float32),
    mesh=_mesh,
    scratch_types=[
        pltpu.VMEM((IR_PW, IPG), jnp.int32),
        [pltpu.VMEM((IPG, DIM), jnp.float32) for _ in range(DEPTH)],
        [pltpu.VMEM((DIM // 8, 1, 8, IPG + 1), jnp.float32)
         for _ in range(DEPTH)],
        [pltpu.SemaphoreType.DMA for _ in range(DEPTH)],
        [pltpu.SemaphoreType.DMA for _ in range(DEPTH)],
    ],
    compiler_params=pltpu.CompilerParams(
        use_tc_tiling_on_sc=False, needs_layout_passes=False
    ),
)
def _emb_lookup(table_hbm, idx_hbm, out_hbm, idx_v, bufs, bts, gsems, osems):
    wid = lax.axis_index("s") * NC + lax.axis_index("c")
    c_base = wid * IR_PW
    pltpu.sync_copy(idx_hbm.at[pl.ds(c_base, IR_PW)], idx_v)

    dt_idx = [lax.iota(jnp.int32, 16) // 8 + 2 * dg for dg in range(4)]
    d8_idx = lax.rem(lax.iota(jnp.int32, 16), 8)
    zero = jnp.zeros((16,), jnp.int32)

    def fire_gather(u, buf, gsem):
        pltpu.async_copy(table_hbm.at[idx_v.at[u]], buf, gsem)

    def wait_gather(buf, gsem):
        pltpu.make_async_copy(table_hbm.at[idx_v.at[0]], buf, gsem).wait()

    def transpose(buf, bt):
        @plsc.parallel_loop(0, IPG)
        def _(b):
            bcol = jnp.full((16,), b, jnp.int32)
            for dg in range(4):
                v = buf[b, pl.ds(16 * dg, 16)]
                plsc.store_scatter(bt, [dt_idx[dg], zero, d8_idx, bcol], v)

    def fire_out(u, bt, osem):
        c = c_base + u
        s = c // BBLK
        bc = lax.rem(c, BBLK)
        pltpu.async_copy(bt.at[:, :, :, pl.ds(0, IPG)],
                         out_hbm.at[s, :, pl.ds(bc, 1)], osem)

    def wait_out(bt, osem):
        pltpu.make_async_copy(bt.at[:, :, :, pl.ds(0, IPG)],
                              out_hbm.at[0, :, pl.ds(0, 1)], osem).wait()

    for r in range(DEPTH):
        fire_gather(r, bufs[r], gsems[r])

    def body(t, carry):
        for r in range(DEPTH):
            u = DEPTH * t + r
            wait_gather(bufs[r], gsems[r])

            @pl.when(t > 0)
            def _():
                wait_out(bts[r], osems[r])

            transpose(bufs[r], bts[r])
            fire_out(u, bts[r], osems[r])

            @pl.when(u + DEPTH < IR_PW)
            def _():
                fire_gather(u + DEPTH, bufs[r], gsems[r])

        return carry

    lax.fori_loop(0, IR_PW // DEPTH, body, 0)
    for r in range(DEPTH):
        wait_out(bts[r], osems[r])


def kernel(x, emb_weight):
    idx = x.T.reshape(NIROW, IPG)
    out5 = _emb_lookup(emb_weight, idx)
    return out5.transpose(2, 4, 0, 1, 3).reshape(BATCH, SEQ, DIM)

# --- scband reference (transcript-rebuilt; emitter-appended) ---
"""Pipeline reference for scband-token-embedding-42477226557728 (READ-ONLY COPY).

The authoritative reference and input builder live on the scoring server;
editing this copy changes nothing except your own understanding.
"""

import jax, jax.numpy as jnp
import numpy as np

NUM_TOKENS = 1000000
DIM = 64
BATCH = 4096
SEQ = 200


def setup_inputs(seed: int = 0) -> dict:
    key = jax.random.key(seed)
    k1, k2 = jax.random.split(key)
    x = jax.random.randint(k1, (BATCH, SEQ), 0, NUM_TOKENS, dtype=jnp.int64 if jax.config.jax_enable_x64 else jnp.int32)
    emb_weight = jax.random.normal(k2, (NUM_TOKENS, DIM), dtype=jnp.float32)
    return {"x": x, "emb_weight": emb_weight}


def reference(x, emb_weight):
    # TokenEmbedding.forward with l2norm_embed=False: plain embedding lookup
    token_emb = jnp.take(emb_weight, x, axis=0)
    return token_emb

if __name__ == "__main__":
    import jax
    _d = setup_inputs()
    print(jax.jit(kernel)(*tuple(_d.values())))

</pallas_src>

<mosaic_0001>
#map = affine_map<(d0, d1) -> (0, 0)>
#map1 = affine_map<(d0, d1) -> (0, 0, 0, 0, 0)>
module attributes {stable_mosaic.version = 14 : i64} {
  func.func @_emb_lookup(%arg0: i32, %arg1: i32, %arg2: memref<1000000x64xf32, #tpu.memory_space<hbm>>, %arg3: memref<6400x128xi32, #tpu.memory_space<hbm>>, %arg4: memref<200x8x32x8x128xf32, #tpu.memory_space<hbm>>, %arg5: memref<200x128xi32, #tpu.memory_space<vmem>>, %arg6: memref<128x64xf32, #tpu.memory_space<vmem>>, %arg7: memref<128x64xf32, #tpu.memory_space<vmem>>, %arg8: memref<128x64xf32, #tpu.memory_space<vmem>>, %arg9: memref<128x64xf32, #tpu.memory_space<vmem>>, %arg10: memref<8x1x8x129xf32, #tpu.memory_space<vmem>>, %arg11: memref<8x1x8x129xf32, #tpu.memory_space<vmem>>, %arg12: memref<8x1x8x129xf32, #tpu.memory_space<vmem>>, %arg13: memref<8x1x8x129xf32, #tpu.memory_space<vmem>>, %arg14: memref<!tpu.dma_semaphore, #tpu.memory_space<semaphore_mem>>, %arg15: memref<!tpu.dma_semaphore, #tpu.memory_space<semaphore_mem>>, %arg16: memref<!tpu.dma_semaphore, #tpu.memory_space<semaphore_mem>>, %arg17: memref<!tpu.dma_semaphore, #tpu.memory_space<semaphore_mem>>, %arg18: memref<!tpu.dma_semaphore, #tpu.memory_space<semaphore_mem>>, %arg19: memref<!tpu.dma_semaphore, #tpu.memory_space<semaphore_mem>>, %arg20: memref<!tpu.dma_semaphore, #tpu.memory_space<semaphore_mem>>, %arg21: memref<!tpu.dma_semaphore, #tpu.memory_space<semaphore_mem>>) attributes {dimension_semantics = [#tpu.dimension_semantics<core_parallel>, #tpu.dimension_semantics<subcore_parallel>], iteration_bounds = array<i64: 2, 16>, scalar_prefetch = 0 : i64, scratch_operands = 17 : i64, tpu.core_type = #tpu.core_type<sc_vector_subcore>, window_params = [{transform_indices = #map}, {transform_indices = #map}, {transform_indices = #map1}]} {
    %mul3A = arith.constant 2 : i32
    %mul3A_0 = arith.muli %arg1, %mul3A : i32
    %add3A = arith.addi %mul3A_0, %arg0 : i32
    %mul3A_1 = arith.constant 200 : i32
    %mul3A_2 = arith.muli %add3A, %mul3A_1 : i32
    "tpu.region"() ({
      %run_scoped3A = tpu.sem_alloc : memref<!tpu.dma_semaphore, #tpu.memory_space<semaphore_mem>>
      %dma_start3A_262 = arith.constant 0 : i32
      %dma_start3A_263 = tpu.memref_slice %arg3[%mul3A_2, %dma_start3A_262] : memref<6400x128xi32, #tpu.memory_space<hbm>> -> memref<200x128xi32, #tpu.memory_space<hbm>>
      %dma_start3A_264 = arith.constant 0 : i32
      %dma_start3A_265 = tpu.memref_slice %arg3[%mul3A_2, %dma_start3A_264] : memref<6400x128xi32, #tpu.memory_space<hbm>> -> memref<200x128xi32, #tpu.memory_space<hbm>>
      tpu.enqueue_dma source(%dma_start3A_265 : memref<200x128xi32, #tpu.memory_space<hbm>>) target(%arg5 : memref<200x128xi32, #tpu.memory_space<vmem>>) target_semaphore(%run_scoped3A : memref<!tpu.dma_semaphore, #tpu.memory_space<semaphore_mem>>)
      %dma_wait3A_266 = arith.constant 0 : i32
      %dma_wait3A_267 = tpu.memref_slice %arg3[%mul3A_2, %dma_wait3A_266] : memref<6400x128xi32, #tpu.memory_space<hbm>> -> memref<200x128xi32, #tpu.memory_space<hbm>>
      %dma_wait3A_268 = arith.constant 0 : i32
      %dma_wait3A_269 = tpu.memref_slice %arg3[%mul3A_2, %dma_wait3A_268] : memref<6400x128xi32, #tpu.memory_space<hbm>> -> memref<200x128xi32, #tpu.memory_space<hbm>>
      tpu.wait_dma2 semaphore(%run_scoped3A : memref<!tpu.dma_semaphore, #tpu.memory_space<semaphore_mem>>) src(%dma_wait3A_269 : memref<200x128xi32, #tpu.memory_space<hbm>>) dst(%arg5 : memref<200x128xi32, #tpu.memory_space<vmem>>)
      tpu.yield
    }) : () -> ()
    %iota3A = tpu.iota {dimensions = array<i32: 0>} : vector<16xi32>
    %jit3A = arith.constant 8 : i32
    %div3A = vector.broadcast %jit3A : i32 to vector<16xi32>
    %div3A_3 = arith.divsi %iota3A, %div3A : vector<16xi32>
    %sign3A = arith.constant 0 : i32
    %sign3A_4 = vector.broadcast %sign3A : i32 to vector<16xi32>
    %sign3A_5 = arith.cmpi sgt, %iota3A, %sign3A_4 : vector<16xi32>
    %sign3A_6 = arith.extui %sign3A_5 : vector<16xi1> to vector<16xi32>
    %sign3A_7 = arith.constant 0 : i32
    %sign3A_8 = vector.broadcast %sign3A_7 : i32 to vector<16xi32>
    %sign3A_9 = arith.cmpi slt, %iota3A, %sign3A_8 : vector<16xi32>
    %sign3A_10 = arith.extui %sign3A_9 : vector<16xi1> to vector<16xi32>
    %sign3A_11 = arith.subi %sign3A_6, %sign3A_10 : vector<16xi32>
    %sign3A_12 = arith.constant 0 : i32
    %sign3A_13 = arith.cmpi sgt, %jit3A, %sign3A_12 : i32
    %sign3A_14 = arith.extui %sign3A_13 : i1 to i32
    %sign3A_15 = arith.constant 0 : i32
    %sign3A_16 = arith.cmpi slt, %jit3A, %sign3A_15 : i32
    %sign3A_17 = arith.extui %sign3A_16 : i1 to i32
    %sign3A_18 = arith.subi %sign3A_14, %sign3A_17 : i32
    %ne3A = vector.broadcast %sign3A_18 : i32 to vector<16xi32>
    %ne3A_19 = arith.cmpi ne, %sign3A_11, %ne3A : vector<16xi32>
    %rem3A = vector.broadcast %jit3A : i32 to vector<16xi32>
    %rem3A_20 = arith.remsi %iota3A, %rem3A : vector<16xi32>
    %ne3A_21 = arith.constant 0 : i32
    %ne3A_22 = vector.broadcast %ne3A_21 : i32 to vector<16xi32>
    %ne3A_23 = arith.cmpi ne, %rem3A_20, %ne3A_22 : vector<16xi32>
    %and3A = arith.andi %ne3A_19, %ne3A_23 : vector<16xi1>
    %sub3A = arith.constant 1 : i32
    %sub3A_24 = vector.broadcast %sub3A : i32 to vector<16xi32>
    %sub3A_25 = arith.subi %div3A_3, %sub3A_24 : vector<16xi32>
    %select_n3A = arith.select %and3A, %sub3A_25, %div3A_3 : vector<16xi1>, vector<16xi32>
    %add3A_26 = arith.constant 0 : i32
    %add3A_27 = vector.broadcast %add3A_26 : i32 to vector<16xi32>
    %add3A_28 = arith.addi %select_n3A, %add3A_27 : vector<16xi32>
    %iota3A_29 = tpu.iota {dimensions = array<i32: 0>} : vector<16xi32>
    %jit3A_30 = arith.constant 8 : i32
    %div3A_31 = vector.broadcast %jit3A_30 : i32 to vector<16xi32>
    %div3A_32 = arith.divsi %iota3A_29, %div3A_31 : vector<16xi32>
    %sign3A_33 = arith.constant 0 : i32
    %sign3A_34 = vector.broadcast %sign3A_33 : i32 to vector<16xi32>
    %sign3A_35 = arith.cmpi sgt, %iota3A_29, %sign3A_34 : vector<16xi32>
    %sign3A_36 = arith.extui %sign3A_35 : vector<16xi1> to vector<16xi32>
    %sign3A_37 = arith.constant 0 : i32
    %sign3A_38 = vector.broadcast %sign3A_37 : i32 to vector<16xi32>
    %sign3A_39 = arith.cmpi slt, %iota3A_29, %sign3A_38 : vector<16xi32>
    %sign3A_40 = arith.extui %sign3A_39 : vector<16xi1> to vector<16xi32>
    %sign3A_41 = arith.subi %sign3A_36, %sign3A_40 : vector<16xi32>
    %sign3A_42 = arith.constant 0 : i32
    %sign3A_43 = arith.cmpi sgt, %jit3A_30, %sign3A_42 : i32
    %sign3A_44 = arith.extui %sign3A_43 : i1 to i32
    %sign3A_45 = arith.constant 0 : i32
    %sign3A_46 = arith.cmpi slt, %jit3A_30, %sign3A_45 : i32
    %sign3A_47 = arith.extui %sign3A_46 : i1 to i32
    %sign3A_48 = arith.subi %sign3A_44, %sign3A_47 : i32
    %ne3A_49 = vector.broadcast %sign3A_48 : i32 to vector<16xi32>
    %ne3A_50 = arith.cmpi ne, %sign3A_41, %ne3A_49 : vector<16xi32>
    %rem3A_51 = vector.broadcast %jit3A_30 : i32 to vector<16xi32>
    %rem3A_52 = arith.remsi %iota3A_29, %rem3A_51 : vector<16xi32>
    %ne3A_53 = arith.constant 0 : i32
    %ne3A_54 = vector.broadcast %ne3A_53 : i32 to vector<16xi32>
    %ne3A_55 = arith.cmpi ne, %rem3A_52, %ne3A_54 : vector<16xi32>
    %and3A_56 = arith.andi %ne3A_50, %ne3A_55 : vector<16xi1>
    %sub3A_57 = arith.constant 1 : i32
    %sub3A_58 = vector.broadcast %sub3A_57 : i32 to vector<16xi32>
    %sub3A_59 = arith.subi %div3A_32, %sub3A_58 : vector<16xi32>
    %select_n3A_60 = arith.select %and3A_56, %sub3A_59, %div3A_32 : vector<16xi1>, vector<16xi32>
    %add3A_61 = arith.constant 2 : i32
    %add3A_62 = vector.broadcast %add3A_61 : i32 to vector<16xi32>
    %add3A_63 = arith.addi %select_n3A_60, %add3A_62 : vector<16xi32>
    %iota3A_64 = tpu.iota {dimensions = array<i32: 0>} : vector<16xi32>
    %jit3A_65 = arith.constant 8 : i32
    %div3A_66 = vector.broadcast %jit3A_65 : i32 to vector<16xi32>
    %div3A_67 = arith.divsi %iota3A_64, %div3A_66 : vector<16xi32>
    %sign3A_68 = arith.constant 0 : i32
    %sign3A_69 = vector.broadcast %sign3A_68 : i32 to vector<16xi32>
    %sign3A_70 = arith.cmpi sgt, %iota3A_64, %sign3A_69 : vector<16xi32>
    %sign3A_71 = arith.extui %sign3A_70 : vector<16xi1> to vector<16xi32>
    %sign3A_72 = arith.constant 0 : i32
    %sign3A_73 = vector.broadcast %sign3A_72 : i32 to vector<16xi32>
    %sign3A_74 = arith.cmpi slt, %iota3A_64, %sign3A_73 : vector<16xi32>
    %sign3A_75 = arith.extui %sign3A_74 : vector<16xi1> to vector<16xi32>
    %sign3A_76 = arith.subi %sign3A_71, %sign3A_75 : vector<16xi32>
    %sign3A_77 = arith.constant 0 : i32
    %sign3A_78 = arith.cmpi sgt, %jit3A_65, %sign3A_77 : i32
    %sign3A_79 = arith.extui %sign3A_78 : i1 to i32
    %sign3A_80 = arith.constant 0 : i32
    %sign3A_81 = arith.cmpi slt, %jit3A_65, %sign3A_80 : i32
    %sign3A_82 = arith.extui %sign3A_81 : i1 to i32
    %sign3A_83 = arith.subi %sign3A_79, %sign3A_82 : i32
    %ne3A_84 = vector.broadcast %sign3A_83 : i32 to vector<16xi32>
    %ne3A_85 = arith.cmpi ne, %sign3A_76, %ne3A_84 : vector<16xi32>
    %rem3A_86 = vector.broadcast %jit3A_65 : i32 to vector<16xi32>
    %rem3A_87 = arith.remsi %iota3A_64, %rem3A_86 : vector<16xi32>
    %ne3A_88 = arith.constant 0 : i32
    %ne3A_89 = vector.broadcast %ne3A_88 : i32 to vector<16xi32>
    %ne3A_90 = arith.cmpi ne, %rem3A_87, %ne3A_89 : vector<16xi32>
    %and3A_91 = arith.andi %ne3A_85, %ne3A_90 : vector<16xi1>
    %sub3A_92 = arith.constant 1 : i32
    %sub3A_93 = vector.broadcast %sub3A_92 : i32 to vector<16xi32>
    %sub3A_94 = arith.subi %div3A_67, %sub3A_93 : vector<16xi32>
    %select_n3A_95 = arith.select %and3A_91, %sub3A_94, %div3A_67 : vector<16xi1>, vector<16xi32>
    %add3A_96 = arith.constant 4 : i32
    %add3A_97 = vector.broadcast %add3A_96 : i32 to vector<16xi32>
    %add3A_98 = arith.addi %select_n3A_95, %add3A_97 : vector<16xi32>
    %iota3A_99 = tpu.iota {dimensions = array<i32: 0>} : vector<16xi32>
    %jit3A_100 = arith.constant 8 : i32
    %div3A_101 = vector.broadcast %jit3A_100 : i32 to vector<16xi32>
    %div3A_102 = arith.divsi %iota3A_99, %div3A_101 : vector<16xi32>
    %sign3A_103 = arith.constant 0 : i32
    %sign3A_104 = vector.broadcast %sign3A_103 : i32 to vector<16xi32>
    %sign3A_105 = arith.cmpi sgt, %iota3A_99, %sign3A_104 : vector<16xi32>
    %sign3A_106 = arith.extui %sign3A_105 : vector<16xi1> to vector<16xi32>
    %sign3A_107 = arith.constant 0 : i32
    %sign3A_108 = vector.broadcast %sign3A_107 : i32 to vector<16xi32>
    %sign3A_109 = arith.cmpi slt, %iota3A_99, %sign3A_108 : vector<16xi32>
    %sign3A_110 = arith.extui %sign3A_109 : vector<16xi1> to vector<16xi32>
    %sign3A_111 = arith.subi %sign3A_106, %sign3A_110 : vector<16xi32>
    %sign3A_112 = arith.constant 0 : i32
    %sign3A_113 = arith.cmpi sgt, %jit3A_100, %sign3A_112 : i32
    %sign3A_114 = arith.extui %sign3A_113 : i1 to i32
    %sign3A_115 = arith.constant 0 : i32
    %sign3A_116 = arith.cmpi slt, %jit3A_100, %sign3A_115 : i32
    %sign3A_117 = arith.extui %sign3A_116 : i1 to i32
    %sign3A_118 = arith.subi %sign3A_114, %sign3A_117 : i32
    %ne3A_119 = vector.broadcast %sign3A_118 : i32 to vector<16xi32>
    %ne3A_120 = arith.cmpi ne, %sign3A_111, %ne3A_119 : vector<16xi32>
    %rem3A_121 = vector.broadcast %jit3A_100 : i32 to vector<16xi32>
    %rem3A_122 = arith.remsi %iota3A_99, %rem3A_121 : vector<16xi32>
    %ne3A_123 = arith.constant 0 : i32
    %ne3A_124 = vector.broadcast %ne3A_123 : i32 to vector<16xi32>
    %ne3A_125 = arith.cmpi ne, %rem3A_122, %ne3A_124 : vector<16xi32>
    %and3A_126 = arith.andi %ne3A_120, %ne3A_125 : vector<16xi1>
    %sub3A_127 = arith.constant 1 : i32
    %sub3A_128 = vector.broadcast %sub3A_127 : i32 to vector<16xi32>
    %sub3A_129 = arith.subi %div3A_102, %sub3A_128 : vector<16xi32>
    %select_n3A_130 = arith.select %and3A_126, %sub3A_129, %div3A_102 : vector<16xi1>, vector<16xi32>
    %add3A_131 = arith.constant 6 : i32
    %add3A_132 = vector.broadcast %add3A_131 : i32 to vector<16xi32>
    %add3A_133 = arith.addi %select_n3A_130, %add3A_132 : vector<16xi32>
    %iota3A_134 = tpu.iota {dimensions = array<i32: 0>} : vector<16xi32>
    %rem3A_135 = arith.constant 8 : i32
    %rem3A_136 = vector.broadcast %rem3A_135 : i32 to vector<16xi32>
    %rem3A_137 = arith.remsi %iota3A_134, %rem3A_136 : vector<16xi32>
    %broadcast_in_dim3A = arith.constant 0 : i32
    %broadcast_in_dim3A_138 = vector.broadcast %broadcast_in_dim3A : i32 to vector<16xi32>
    %dma_start3A = arith.constant 0 : i32
    %dma_start3A_139 = arith.constant 0 : i32
    %dma_start3A_140 = tpu.memref_slice %arg5[%dma_start3A, %dma_start3A_139] : memref<200x128xi32, #tpu.memory_space<vmem>> -> memref<1x128xi32, #tpu.memory_space<vmem>>
    %dma_start3A_141 = tpu.memref_squeeze %dma_start3A_140 : memref<1x128xi32, #tpu.memory_space<vmem>> -> memref<128xi32, #tpu.memory_space<vmem>>
    %dma_start3A_142 = arith.constant 0 : i32
    %dma_start3A_143 = arith.constant 0 : i32
    %dma_start3A_144 = tpu.memref_slice %arg2[%dma_start3A_142, %dma_start3A_143] : memref<1000000x64xf32, #tpu.memory_space<hbm>> -> memref<1000000x64xf32, #tpu.memory_space<hbm>>
    tpu.enqueue_indirect_dma source(%dma_start3A_144 : memref<1000000x64xf32, #tpu.memory_space<hbm>>) target(%arg6 : memref<128x64xf32, #tpu.memory_space<vmem>>) offsets(%dma_start3A_141 : memref<128xi32, #tpu.memory_space<vmem>>) semaphore(%arg14 : memref<!tpu.dma_semaphore, #tpu.memory_space<semaphore_mem>>)
    %dma_start3A_145 = arith.constant 1 : i32
    %dma_start3A_146 = arith.constant 0 : i32
    %dma_start3A_147 = tpu.memref_slice %arg5[%dma_start3A_145, %dma_start3A_146] : memref<200x128xi32, #tpu.memory_space<vmem>> -> memref<1x128xi32, #tpu.memory_space<vmem>>
    %dma_start3A_148 = tpu.memref_squeeze %dma_start3A_147 : memref<1x128xi32, #tpu.memory_space<vmem>> -> memref<128xi32, #tpu.memory_space<vmem>>
    %dma_start3A_149 = arith.constant 0 : i32
    %dma_start3A_150 = arith.constant 0 : i32
    %dma_start3A_151 = tpu.memref_slice %arg2[%dma_start3A_149, %dma_start3A_150] : memref<1000000x64xf32, #tpu.memory_space<hbm>> -> memref<1000000x64xf32, #tpu.memory_space<hbm>>
    tpu.enqueue_indirect_dma source(%dma_start3A_151 : memref<1000000x64xf32, #tpu.memory_space<hbm>>) target(%arg7 : memref<128x64xf32, #tpu.memory_space<vmem>>) offsets(%dma_start3A_148 : memref<128xi32, #tpu.memory_space<vmem>>) semaphore(%arg15 : memref<!tpu.dma_semaphore, #tpu.memory_space<semaphore_mem>>)
    %dma_start3A_152 = arith.constant 2 : i32
    %dma_start3A_153 = arith.constant 0 : i32
    %dma_start3A_154 = tpu.memref_slice %arg5[%dma_start3A_152, %dma_start3A_153] : memref<200x128xi32, #tpu.memory_space<vmem>> -> memref<1x128xi32, #tpu.memory_space<vmem>>
    %dma_start3A_155 = tpu.memref_squeeze %dma_start3A_154 : memref<1x128xi32, #tpu.memory_space<vmem>> -> memref<128xi32, #tpu.memory_space<vmem>>
    %dma_start3A_156 = arith.constant 0 : i32
    %dma_start3A_157 = arith.constant 0 : i32
    %dma_start3A_158 = tpu.memref_slice %arg2[%dma_start3A_156, %dma_start3A_157] : memref<1000000x64xf32, #tpu.memory_space<hbm>> -> memref<1000000x64xf32, #tpu.memory_space<hbm>>
    tpu.enqueue_indirect_dma source(%dma_start3A_158 : memref<1000000x64xf32, #tpu.memory_space<hbm>>) target(%arg8 : memref<128x64xf32, #tpu.memory_space<vmem>>) offsets(%dma_start3A_155 : memref<128xi32, #tpu.memory_space<vmem>>) semaphore(%arg16 : memref<!tpu.dma_semaphore, #tpu.memory_space<semaphore_mem>>)
    %dma_start3A_159 = arith.constant 3 : i32
    %dma_start3A_160 = arith.constant 0 : i32
    %dma_start3A_161 = tpu.memref_slice %arg5[%dma_start3A_159, %dma_start3A_160] : memref<200x128xi32, #tpu.memory_space<vmem>> -> memref<1x128xi32, #tpu.memory_space<vmem>>
    %dma_start3A_162 = tpu.memref_squeeze %dma_start3A_161 : memref<1x128xi32, #tpu.memory_space<vmem>> -> memref<128xi32, #tpu.memory_space<vmem>>
    %dma_start3A_163 = arith.constant 0 : i32
    %dma_start3A_164 = arith.constant 0 : i32
    %dma_start3A_165 = tpu.memref_slice %arg2[%dma_start3A_163, %dma_start3A_164] : memref<1000000x64xf32, #tpu.memory_space<hbm>> -> memref<1000000x64xf32, #tpu.memory_space<hbm>>
    tpu.enqueue_indirect_dma source(%dma_start3A_165 : memref<1000000x64xf32, #tpu.memory_space<hbm>>) target(%arg9 : memref<128x64xf32, #tpu.memory_space<vmem>>) offsets(%dma_start3A_162 : memref<128xi32, #tpu.memory_space<vmem>>) semaphore(%arg17 : memref<!tpu.dma_semaphore, #tpu.memory_space<semaphore_mem>>)
    %scan3A = arith.constant 0 : i32
    %scan3A_166 = arith.constant 0 : i32
    %scan3A_167 = arith.constant 50 : i32
    %scan3A_168 = arith.addi %scan3A_166, %scan3A_167 : i32
    %scan3A_169 = arith.constant 1 : i32
    scf.for %scan3A_262 = %scan3A_166 to %scan3A_168 step %scan3A_169  : i32 {
      %mul3A_263 = arith.constant 4 : i32
      %mul3A_264 = arith.muli %mul3A_263, %scan3A_262 : i32
      %add3A_265 = arith.constant 0 : i32
      %add3A_266 = arith.addi %mul3A_264, %add3A_265 : i32
      %dma_wait3A_267 = arith.constant 0 : i32
      %dma_wait3A_268 = arith.constant 0 : i32
      %dma_wait3A_269 = tpu.memref_slice %arg5[%dma_wait3A_267, %dma_wait3A_268] : memref<200x128xi32, #tpu.memory_space<vmem>> -> memref<1x128xi32, #tpu.memory_space<vmem>>
      %dma_wait3A_270 = tpu.memref_squeeze %dma_wait3A_269 : memref<1x128xi32, #tpu.memory_space<vmem>> -> memref<128xi32, #tpu.memory_space<vmem>>
      %dma_wait3A_271 = arith.constant 0 : i32
      %dma_wait3A_272 = arith.constant 0 : i32
      %dma_wait3A_273 = tpu.memref_slice %arg2[%dma_wait3A_271, %dma_wait3A_272] : memref<1000000x64xf32, #tpu.memory_space<hbm>> -> memref<1000000x64xf32, #tpu.memory_space<hbm>>
      tpu.wait_indirect_dma semaphore(%arg14 : memref<!tpu.dma_semaphore, #tpu.memory_space<semaphore_mem>>) src(%dma_wait3A_273 : memref<1000000x64xf32, #tpu.memory_space<hbm>>) dst(%arg6 : memref<128x64xf32, #tpu.memory_space<vmem>>)
      %gt3A = arith.constant 0 : i32
      %gt3A_274 = arith.cmpi sgt, %scan3A_262, %gt3A : i32
      %convert_element_type3A = arith.extui %gt3A_274 : i1 to i32
      %cond3A = arith.constant 0 : i32
      %cond3A_275 = arith.cmpi ne, %convert_element_type3A, %cond3A : i32
      scf.if %cond3A_275 {
        %dma_wait3A_550 = arith.constant 0 : i32
        %dma_wait3A_551 = arith.constant 0 : i32
        %dma_wait3A_552 = arith.constant 0 : i32
        %dma_wait3A_553 = arith.constant 0 : i32
        %dma_wait3A_554 = arith.constant 0 : i32
        %dma_wait3A_555 = tpu.memref_slice %arg10[%dma_wait3A_551, %dma_wait3A_552, %dma_wait3A_553, %dma_wait3A_554] : memref<8x1x8x129xf32, #tpu.memory_space<vmem>> -> memref<8x1x8x128xf32, #tpu.memory_space<vmem>>
        %dma_wait3A_556 = arith.constant 0 : i32
        %dma_wait3A_557 = arith.constant 0 : i32
        %dma_wait3A_558 = arith.constant 0 : i32
        %dma_wait3A_559 = arith.constant 0 : i32
        %dma_wait3A_560 = tpu.memref_slice %arg4[%dma_wait3A_550, %dma_wait3A_556, %dma_wait3A_557, %dma_wait3A_558, %dma_wait3A_559] : memref<200x8x32x8x128xf32, #tpu.memory_space<hbm>> -> memref<1x8x1x8x128xf32, #tpu.memory_space<hbm>>
        %dma_wait3A_561 = tpu.memref_squeeze %dma_wait3A_560 : memref<1x8x1x8x128xf32, #tpu.memory_space<hbm>> -> memref<8x1x8x128xf32, #tpu.memory_space<hbm>>
        %dma_wait3A_562 = arith.constant 0 : i32
        %dma_wait3A_563 = arith.constant 0 : i32
        %dma_wait3A_564 = arith.constant 0 : i32
        %dma_wait3A_565 = arith.constant 0 : i32
        %dma_wait3A_566 = tpu.memref_slice %arg4[%dma_wait3A_550, %dma_wait3A_562, %dma_wait3A_563, %dma_wait3A_564, %dma_wait3A_565] : memref<200x8x32x8x128xf32, #tpu.memory_space<hbm>> -> memref<1x8x1x8x128xf32, #tpu.memory_space<hbm>>
        %dma_wait3A_567 = tpu.memref_squeeze %dma_wait3A_566 : memref<1x8x1x8x128xf32, #tpu.memory_space<hbm>> -> memref<8x1x8x128xf32, #tpu.memory_space<hbm>>
        %dma_wait3A_568 = arith.constant 0 : i32
        %dma_wait3A_569 = arith.constant 0 : i32
        %dma_wait3A_570 = arith.constant 0 : i32
        %dma_wait3A_571 = arith.constant 0 : i32
        %dma_wait3A_572 = tpu.memref_slice %arg10[%dma_wait3A_568, %dma_wait3A_569, %dma_wait3A_570, %dma_wait3A_571] : memref<8x1x8x129xf32, #tpu.memory_space<vmem>> -> memref<8x1x8x128xf32, #tpu.memory_space<vmem>>
        tpu.wait_dma2 semaphore(%arg18 : memref<!tpu.dma_semaphore, #tpu.memory_space<semaphore_mem>>) src(%dma_wait3A_572 : memref<8x1x8x128xf32, #tpu.memory_space<vmem>>) dst(%dma_wait3A_567 : memref<8x1x8x128xf32, #tpu.memory_space<hbm>>)
      } else {
      }
      %parallel_loop3A = arith.constant 0 : i32
      %parallel_loop3A_276 = arith.constant 128 : i32
      %parallel_loop3A_277 = arith.constant 1 : i32
      scf.for %parallel_loop3A_550 = %parallel_loop3A to %parallel_loop3A_276 step %parallel_loop3A_277  : i32 {
        %parallel_loop3A_551 = vector.broadcast %parallel_loop3A_550 : i32 to vector<16xi32>
        %parallel_loop3A_552 = arith.index_cast %parallel_loop3A_550 : i32 to index
        %parallel_loop3A_553 = arith.constant 0 : index
        %parallel_loop3A_554 = tpu.vector_load %arg6[%parallel_loop3A_552, %parallel_loop3A_553] {strides = array<i32>} : memref<128x64xf32, #tpu.memory_space<vmem>>, vector<16xf32>,
        tpu.vector_store_idx %arg10[%add3A_28, %broadcast_in_dim3A_138, %rem3A_137, %parallel_loop3A_551], %parallel_loop3A_554 : memref<8x1x8x129xf32, #tpu.memory_space<vmem>>[vector<16xi32>, vector<16xi32>, vector<16xi32>, vector<16xi32>], vector<16xf32>,
        %parallel_loop3A_555 = arith.index_cast %parallel_loop3A_550 : i32 to index
        %parallel_loop3A_556 = arith.constant 16 : index
        %parallel_loop3A_557 = tpu.vector_load %arg6[%parallel_loop3A_555, %parallel_loop3A_556] {strides = array<i32>} : memref<128x64xf32, #tpu.memory_space<vmem>>, vector<16xf32>,
        tpu.vector_store_idx %arg10[%add3A_63, %broadcast_in_dim3A_138, %rem3A_137, %parallel_loop3A_551], %parallel_loop3A_557 : memref<8x1x8x129xf32, #tpu.memory_space<vmem>>[vector<16xi32>, vector<16xi32>, vector<16xi32>, vector<16xi32>], vector<16xf32>,
        %parallel_loop3A_558 = arith.index_cast %parallel_loop3A_550 : i32 to index
        %parallel_loop3A_559 = arith.constant 32 : index
        %parallel_loop3A_560 = tpu.vector_load %arg6[%parallel_loop3A_558, %parallel_loop3A_559] {strides = array<i32>} : memref<128x64xf32, #tpu.memory_space<vmem>>, vector<16xf32>,
        tpu.vector_store_idx %arg10[%add3A_98, %broadcast_in_dim3A_138, %rem3A_137, %parallel_loop3A_551], %parallel_loop3A_560 : memref<8x1x8x129xf32, #tpu.memory_space<vmem>>[vector<16xi32>, vector<16xi32>, vector<16xi32>, vector<16xi32>], vector<16xf32>,
        %parallel_loop3A_561 = arith.index_cast %parallel_loop3A_550 : i32 to index
        %parallel_loop3A_562 = arith.constant 48 : index
        %parallel_loop3A_563 = tpu.vector_load %arg6[%parallel_loop3A_561, %parallel_loop3A_562] {strides = array<i32>} : memref<128x64xf32, #tpu.memory_space<vmem>>, vector<16xf32>,
        tpu.vector_store_idx %arg10[%add3A_133, %broadcast_in_dim3A_138, %rem3A_137, %parallel_loop3A_551], %parallel_loop3A_563 : memref<8x1x8x129xf32, #tpu.memory_space<vmem>>[vector<16xi32>, vector<16xi32>, vector<16xi32>, vector<16xi32>], vector<16xf32>,
      } {sc.loop_unroll_factor = 1 : i64, sc.parallel_access}
      %add3A_278 = arith.addi %mul3A_2, %add3A_266 : i32
      %jit3A_279 = arith.constant 32 : i32
      %div3A_280 = arith.divsi %add3A_278, %jit3A_279 : i32
      %sign3A_281 = arith.constant 0 : i32
      %sign3A_282 = arith.cmpi sgt, %add3A_278, %sign3A_281 : i32
      %sign3A_283 = arith.extui %sign3A_282 : i1 to i32
      %sign3A_284 = arith.constant 0 : i32
      %sign3A_285 = arith.cmpi slt, %add3A_278, %sign3A_284 : i32
      %sign3A_286 = arith.extui %sign3A_285 : i1 to i32
      %sign3A_287 = arith.subi %sign3A_283, %sign3A_286 : i32
      %sign3A_288 = arith.constant 0 : i32
      %sign3A_289 = arith.cmpi sgt, %jit3A_279, %sign3A_288 : i32
      %sign3A_290 = arith.extui %sign3A_289 : i1 to i32
      %sign3A_291 = arith.constant 0 : i32
      %sign3A_292 = arith.cmpi slt, %jit3A_279, %sign3A_291 : i32
      %sign3A_293 = arith.extui %sign3A_292 : i1 to i32
      %sign3A_294 = arith.subi %sign3A_290, %sign3A_293 : i32
      %ne3A_295 = arith.cmpi ne, %sign3A_287, %sign3A_294 : i32
      %rem3A_296 = arith.remsi %add3A_278, %jit3A_279 : i32
      %ne3A_297 = arith.constant 0 : i32
      %ne3A_298 = arith.cmpi ne, %rem3A_296, %ne3A_297 : i32
      %and3A_299 = arith.andi %ne3A_295, %ne3A_298 : i1
      %sub3A_300 = arith.constant 1 : i32
      %sub3A_301 = arith.subi %div3A_280, %sub3A_300 : i32
      %select_n3A_302 = arith.select %and3A_299, %sub3A_301, %div3A_280 : i32
      %rem3A_303 = arith.constant 32 : i32
      %rem3A_304 = arith.remsi %add3A_278, %rem3A_303 : i32
      %dma_start3A_305 = arith.constant 0 : i32
      %dma_start3A_306 = arith.constant 0 : i32
      %dma_start3A_307 = arith.constant 0 : i32
      %dma_start3A_308 = arith.constant 0 : i32
      %dma_start3A_309 = tpu.memref_slice %arg10[%dma_start3A_305, %dma_start3A_306, %dma_start3A_307, %dma_start3A_308] : memref<8x1x8x129xf32, #tpu.memory_space<vmem>> -> memref<8x1x8x128xf32, #tpu.memory_space<vmem>>
      %dma_start3A_310 = arith.constant 0 : i32
      %dma_start3A_311 = arith.constant 0 : i32
      %dma_start3A_312 = arith.constant 0 : i32
      %dma_start3A_313 = tpu.memref_slice %arg4[%select_n3A_302, %dma_start3A_310, %rem3A_304, %dma_start3A_311, %dma_start3A_312] : memref<200x8x32x8x128xf32, #tpu.memory_space<hbm>> -> memref<1x8x1x8x128xf32, #tpu.memory_space<hbm>>
      %dma_start3A_314 = tpu.memref_squeeze %dma_start3A_313 : memref<1x8x1x8x128xf32, #tpu.memory_space<hbm>> -> memref<8x1x8x128xf32, #tpu.memory_space<hbm>>
      %dma_start3A_315 = arith.constant 0 : i32
      %dma_start3A_316 = arith.constant 0 : i32
      %dma_start3A_317 = arith.constant 0 : i32
      %dma_start3A_318 = tpu.memref_slice %arg4[%select_n3A_302, %dma_start3A_315, %rem3A_304, %dma_start3A_316, %dma_start3A_317] : memref<200x8x32x8x128xf32, #tpu.memory_space<hbm>> -> memref<1x8x1x8x128xf32, #tpu.memory_space<hbm>>
      %dma_start3A_319 = tpu.memref_squeeze %dma_start3A_318 : memref<1x8x1x8x128xf32, #tpu.memory_space<hbm>> -> memref<8x1x8x128xf32, #tpu.memory_space<hbm>>
      %dma_start3A_320 = arith.constant 0 : i32
      %dma_start3A_321 = arith.constant 0 : i32
      %dma_start3A_322 = arith.constant 0 : i32
      %dma_start3A_323 = arith.constant 0 : i32
      %dma_start3A_324 = tpu.memref_slice %arg10[%dma_start3A_320, %dma_start3A_321, %dma_start3A_322, %dma_start3A_323] : memref<8x1x8x129xf32, #tpu.memory_space<vmem>> -> memref<8x1x8x128xf32, #tpu.memory_space<vmem>>
      tpu.enqueue_dma source(%dma_start3A_324 : memref<8x1x8x128xf32, #tpu.memory_space<vmem>>) target(%dma_start3A_319 : memref<8x1x8x128xf32, #tpu.memory_space<hbm>>) target_semaphore(%arg18 : memref<!tpu.dma_semaphore, #tpu.memory_space<semaphore_mem>>)
      %add3A_325 = arith.constant 4 : i32
      %add3A_326 = arith.addi %add3A_266, %add3A_325 : i32
      %lt3A = arith.constant 200 : i32
      %lt3A_327 = arith.cmpi slt, %add3A_326, %lt3A : i32
      %convert_element_type3A_328 = arith.extui %lt3A_327 : i1 to i32
      %cond3A_329 = arith.constant 0 : i32
      %cond3A_330 = arith.cmpi ne, %convert_element_type3A_328, %cond3A_329 : i32
      scf.if %cond3A_330 {
        %add3A_550 = arith.constant 4 : i32
        %add3A_551 = arith.addi %add3A_266, %add3A_550 : i32
        %dma_start3A_552 = arith.constant 0 : i32
        %dma_start3A_553 = tpu.memref_slice %arg5[%add3A_551, %dma_start3A_552] : memref<200x128xi32, #tpu.memory_space<vmem>> -> memref<1x128xi32, #tpu.memory_space<vmem>>
        %dma_start3A_554 = tpu.memref_squeeze %dma_start3A_553 : memref<1x128xi32, #tpu.memory_space<vmem>> -> memref<128xi32, #tpu.memory_space<vmem>>
        %dma_start3A_555 = arith.constant 0 : i32
        %dma_start3A_556 = arith.constant 0 : i32
        %dma_start3A_557 = tpu.memref_slice %arg2[%dma_start3A_555, %dma_start3A_556] : memref<1000000x64xf32, #tpu.memory_space<hbm>> -> memref<1000000x64xf32, #tpu.memory_space<hbm>>
        tpu.enqueue_indirect_dma source(%dma_start3A_557 : memref<1000000x64xf32, #tpu.memory_space<hbm>>) target(%arg6 : memref<128x64xf32, #tpu.memory_space<vmem>>) offsets(%dma_start3A_554 : memref<128xi32, #tpu.memory_space<vmem>>) semaphore(%arg14 : memref<!tpu.dma_semaphore, #tpu.memory_space<semaphore_mem>>)
      } else {
      }
      %mul3A_331 = arith.constant 4 : i32
      %mul3A_332 = arith.muli %mul3A_331, %scan3A_262 : i32
      %add3A_333 = arith.constant 1 : i32
      %add3A_334 = arith.addi %mul3A_332, %add3A_333 : i32
      %dma_wait3A_335 = arith.constant 0 : i32
      %dma_wait3A_336 = arith.constant 0 : i32
      %dma_wait3A_337 = tpu.memref_slice %arg5[%dma_wait3A_335, %dma_wait3A_336] : memref<200x128xi32, #tpu.memory_space<vmem>> -> memref<1x128xi32, #tpu.memory_space<vmem>>
      %dma_wait3A_338 = tpu.memref_squeeze %dma_wait3A_337 : memref<1x128xi32, #tpu.memory_space<vmem>> -> memref<128xi32, #tpu.memory_space<vmem>>
      %dma_wait3A_339 = arith.constant 0 : i32
      %dma_wait3A_340 = arith.constant 0 : i32
      %dma_wait3A_341 = tpu.memref_slice %arg2[%dma_wait3A_339, %dma_wait3A_340] : memref<1000000x64xf32, #tpu.memory_space<hbm>> -> memref<1000000x64xf32, #tpu.memory_space<hbm>>
      tpu.wait_indirect_dma semaphore(%arg15 : memref<!tpu.dma_semaphore, #tpu.memory_space<semaphore_mem>>) src(%dma_wait3A_341 : memref<1000000x64xf32, #tpu.memory_space<hbm>>) dst(%arg7 : memref<128x64xf32, #tpu.memory_space<vmem>>)
      %gt3A_342 = arith.constant 0 : i32
      %gt3A_343 = arith.cmpi sgt, %scan3A_262, %gt3A_342 : i32
      %convert_element_type3A_344 = arith.extui %gt3A_343 : i1 to i32
      %cond3A_345 = arith.constant 0 : i32
      %cond3A_346 = arith.cmpi ne, %convert_element_type3A_344, %cond3A_345 : i32
      scf.if %cond3A_346 {
        %dma_wait3A_550 = arith.constant 0 : i32
        %dma_wait3A_551 = arith.constant 0 : i32
        %dma_wait3A_552 = arith.constant 0 : i32
        %dma_wait3A_553 = arith.constant 0 : i32
        %dma_wait3A_554 = arith.constant 0 : i32
        %dma_wait3A_555 = tpu.memref_slice %arg11[%dma_wait3A_551, %dma_wait3A_552, %dma_wait3A_553, %dma_wait3A_554] : memref<8x1x8x129xf32, #tpu.memory_space<vmem>> -> memref<8x1x8x128xf32, #tpu.memory_space<vmem>>
        %dma_wait3A_556 = arith.constant 0 : i32
        %dma_wait3A_557 = arith.constant 0 : i32
        %dma_wait3A_558 = arith.constant 0 : i32
        %dma_wait3A_559 = arith.constant 0 : i32
        %dma_wait3A_560 = tpu.memref_slice %arg4[%dma_wait3A_550, %dma_wait3A_556, %dma_wait3A_557, %dma_wait3A_558, %dma_wait3A_559] : memref<200x8x32x8x128xf32, #tpu.memory_space<hbm>> -> memref<1x8x1x8x128xf32, #tpu.memory_space<hbm>>
        %dma_wait3A_561 = tpu.memref_squeeze %dma_wait3A_560 : memref<1x8x1x8x128xf32, #tpu.memory_space<hbm>> -> memref<8x1x8x128xf32, #tpu.memory_space<hbm>>
        %dma_wait3A_562 = arith.constant 0 : i32
        %dma_wait3A_563 = arith.constant 0 : i32
        %dma_wait3A_564 = arith.constant 0 : i32
        %dma_wait3A_565 = arith.constant 0 : i32
        %dma_wait3A_566 = tpu.memref_slice %arg4[%dma_wait3A_550, %dma_wait3A_562, %dma_wait3A_563, %dma_wait3A_564, %dma_wait3A_565] : memref<200x8x32x8x128xf32, #tpu.memory_space<hbm>> -> memref<1x8x1x8x128xf32, #tpu.memory_space<hbm>>
        %dma_wait3A_567 = tpu.memref_squeeze %dma_wait3A_566 : memref<1x8x1x8x128xf32, #tpu.memory_space<hbm>> -> memref<8x1x8x128xf32, #tpu.memory_space<hbm>>
        %dma_wait3A_568 = arith.constant 0 : i32
        %dma_wait3A_569 = arith.constant 0 : i32
        %dma_wait3A_570 = arith.constant 0 : i32
        %dma_wait3A_571 = arith.constant 0 : i32
        %dma_wait3A_572 = tpu.memref_slice %arg11[%dma_wait3A_568, %dma_wait3A_569, %dma_wait3A_570, %dma_wait3A_571] : memref<8x1x8x129xf32, #tpu.memory_space<vmem>> -> memref<8x1x8x128xf32, #tpu.memory_space<vmem>>
        tpu.wait_dma2 semaphore(%arg19 : memref<!tpu.dma_semaphore, #tpu.memory_space<semaphore_mem>>) src(%dma_wait3A_572 : memref<8x1x8x128xf32, #tpu.memory_space<vmem>>) dst(%dma_wait3A_567 : memref<8x1x8x128xf32, #tpu.memory_space<hbm>>)
      } else {
      }
      %parallel_loop3A_347 = arith.constant 0 : i32
      %parallel_loop3A_348 = arith.constant 128 : i32
      %parallel_loop3A_349 = arith.constant 1 : i32
      scf.for %parallel_loop3A_550 = %parallel_loop3A_347 to %parallel_loop3A_348 step %parallel_loop3A_349  : i32 {
        %parallel_loop3A_551 = vector.broadcast %parallel_loop3A_550 : i32 to vector<16xi32>
        %parallel_loop3A_552 = arith.index_cast %parallel_loop3A_550 : i32 to index
        %parallel_loop3A_553 = arith.constant 0 : index
        %parallel_loop3A_554 = tpu.vector_load %arg7[%parallel_loop3A_552, %parallel_loop3A_553] {strides = array<i32>} : memref<128x64xf32, #tpu.memory_space<vmem>>, vector<16xf32>,
        tpu.vector_store_idx %arg11[%add3A_28, %broadcast_in_dim3A_138, %rem3A_137, %parallel_loop3A_551], %parallel_loop3A_554 : memref<8x1x8x129xf32, #tpu.memory_space<vmem>>[vector<16xi32>, vector<16xi32>, vector<16xi32>, vector<16xi32>], vector<16xf32>,
        %parallel_loop3A_555 = arith.index_cast %parallel_loop3A_550 : i32 to index
        %parallel_loop3A_556 = arith.constant 16 : index
        %parallel_loop3A_557 = tpu.vector_load %arg7[%parallel_loop3A_555, %parallel_loop3A_556] {strides = array<i32>} : memref<128x64xf32, #tpu.memory_space<vmem>>, vector<16xf32>,
        tpu.vector_store_idx %arg11[%add3A_63, %broadcast_in_dim3A_138, %rem3A_137, %parallel_loop3A_551], %parallel_loop3A_557 : memref<8x1x8x129xf32, #tpu.memory_space<vmem>>[vector<16xi32>, vector<16xi32>, vector<16xi32>, vector<16xi32>], vector<16xf32>,
        %parallel_loop3A_558 = arith.index_cast %parallel_loop3A_550 : i32 to index
        %parallel_loop3A_559 = arith.constant 32 : index
        %parallel_loop3A_560 = tpu.vector_load %arg7[%parallel_loop3A_558, %parallel_loop3A_559] {strides = array<i32>} : memref<128x64xf32, #tpu.memory_space<vmem>>, vector<16xf32>,
        tpu.vector_store_idx %arg11[%add3A_98, %broadcast_in_dim3A_138, %rem3A_137, %parallel_loop3A_551], %parallel_loop3A_560 : memref<8x1x8x129xf32, #tpu.memory_space<vmem>>[vector<16xi32>, vector<16xi32>, vector<16xi32>, vector<16xi32>], vector<16xf32>,
        %parallel_loop3A_561 = arith.index_cast %parallel_loop3A_550 : i32 to index
        %parallel_loop3A_562 = arith.constant 48 : index
        %parallel_loop3A_563 = tpu.vector_load %arg7[%parallel_loop3A_561, %parallel_loop3A_562] {strides = array<i32>} : memref<128x64xf32, #tpu.memory_space<vmem>>, vector<16xf32>,
        tpu.vector_store_idx %arg11[%add3A_133, %broadcast_in_dim3A_138, %rem3A_137, %parallel_loop3A_551], %parallel_loop3A_563 : memref<8x1x8x129xf32, #tpu.memory_space<vmem>>[vector<16xi32>, vector<16xi32>, vector<16xi32>, vector<16xi32>], vector<16xf32>,
      } {sc.loop_unroll_factor = 1 : i64, sc.parallel_access}
      %add3A_350 = arith.addi %mul3A_2, %add3A_334 : i32
      %jit3A_351 = arith.constant 32 : i32
      %div3A_352 = arith.divsi %add3A_350, %jit3A_351 : i32
      %sign3A_353 = arith.constant 0 : i32
      %sign3A_354 = arith.cmpi sgt, %add3A_350, %sign3A_353 : i32
      %sign3A_355 = arith.extui %sign3A_354 : i1 to i32
      %sign3A_356 = arith.constant 0 : i32
      %sign3A_357 = arith.cmpi slt, %add3A_350, %sign3A_356 : i32
      %sign3A_358 = arith.extui %sign3A_357 : i1 to i32
      %sign3A_359 = arith.subi %sign3A_355, %sign3A_358 : i32
      %sign3A_360 = arith.constant 0 : i32
      %sign3A_361 = arith.cmpi sgt, %jit3A_351, %sign3A_360 : i32
      %sign3A_362 = arith.extui %sign3A_361 : i1 to i32
      %sign3A_363 = arith.constant 0 : i32
      %sign3A_364 = arith.cmpi slt, %jit3A_351, %sign3A_363 : i32
      %sign3A_365 = arith.extui %sign3A_364 : i1 to i32
      %sign3A_366 = arith.subi %sign3A_362, %sign3A_365 : i32
      %ne3A_367 = arith.cmpi ne, %sign3A_359, %sign3A_366 : i32
      %rem3A_368 = arith.remsi %add3A_350, %jit3A_351 : i32
      %ne3A_369 = arith.constant 0 : i32
      %ne3A_370 = arith.cmpi ne, %rem3A_368, %ne3A_369 : i32
      %and3A_371 = arith.andi %ne3A_367, %ne3A_370 : i1
      %sub3A_372 = arith.constant 1 : i32
      %sub3A_373 = arith.subi %div3A_352, %sub3A_372 : i32
      %select_n3A_374 = arith.select %and3A_371, %sub3A_373, %div3A_352 : i32
      %rem3A_375 = arith.constant 32 : i32
      %rem3A_376 = arith.remsi %add3A_350, %rem3A_375 : i32
      %dma_start3A_377 = arith.constant 0 : i32
      %dma_start3A_378 = arith.constant 0 : i32
      %dma_start3A_379 = arith.constant 0 : i32
      %dma_start3A_380 = arith.constant 0 : i32
      %dma_start3A_381 = tpu.memref_slice %arg11[%dma_start3A_377, %dma_start3A_378, %dma_start3A_379, %dma_start3A_380] : memref<8x1x8x129xf32, #tpu.memory_space<vmem>> -> memref<8x1x8x128xf32, #tpu.memory_space<vmem>>
      %dma_start3A_382 = arith.constant 0 : i32
      %dma_start3A_383 = arith.constant 0 : i32
      %dma_start3A_384 = arith.constant 0 : i32
      %dma_start3A_385 = tpu.memref_slice %arg4[%select_n3A_374, %dma_start3A_382, %rem3A_376, %dma_start3A_383, %dma_start3A_384] : memref<200x8x32x8x128xf32, #tpu.memory_space<hbm>> -> memref<1x8x1x8x128xf32, #tpu.memory_space<hbm>>
      %dma_start3A_386 = tpu.memref_squeeze %dma_start3A_385 : memref<1x8x1x8x128xf32, #tpu.memory_space<hbm>> -> memref<8x1x8x128xf32, #tpu.memory_space<hbm>>
      %dma_start3A_387 = arith.constant 0 : i32
      %dma_start3A_388 = arith.constant 0 : i32
      %dma_start3A_389 = arith.constant 0 : i32
      %dma_start3A_390 = tpu.memref_slice %arg4[%select_n3A_374, %dma_start3A_387, %rem3A_376, %dma_start3A_388, %dma_start3A_389] : memref<200x8x32x8x128xf32, #tpu.memory_space<hbm>> -> memref<1x8x1x8x128xf32, #tpu.memory_space<hbm>>
      %dma_start3A_391 = tpu.memref_squeeze %dma_start3A_390 : memref<1x8x1x8x128xf32, #tpu.memory_space<hbm>> -> memref<8x1x8x128xf32, #tpu.memory_space<hbm>>
      %dma_start3A_392 = arith.constant 0 : i32
      %dma_start3A_393 = arith.constant 0 : i32
      %dma_start3A_394 = arith.constant 0 : i32
      %dma_start3A_395 = arith.constant 0 : i32
      %dma_start3A_396 = tpu.memref_slice %arg11[%dma_start3A_392, %dma_start3A_393, %dma_start3A_394, %dma_start3A_395] : memref<8x1x8x129xf32, #tpu.memory_space<vmem>> -> memref<8x1x8x128xf32, #tpu.memory_space<vmem>>
      tpu.enqueue_dma source(%dma_start3A_396 : memref<8x1x8x128xf32, #tpu.memory_space<vmem>>) target(%dma_start3A_391 : memref<8x1x8x128xf32, #tpu.memory_space<hbm>>) target_semaphore(%arg19 : memref<!tpu.dma_semaphore, #tpu.memory_space<semaphore_mem>>)
      %add3A_397 = arith.constant 4 : i32
      %add3A_398 = arith.addi %add3A_334, %add3A_397 : i32
      %lt3A_399 = arith.constant 200 : i32
      %lt3A_400 = arith.cmpi slt, %add3A_398, %lt3A_399 : i32
      %convert_element_type3A_401 = arith.extui %lt3A_400 : i1 to i32
      %cond3A_402 = arith.constant 0 : i32
      %cond3A_403 = arith.cmpi ne, %convert_element_type3A_401, %cond3A_402 : i32
      scf.if %cond3A_403 {
        %add3A_550 = arith.constant 4 : i32
        %add3A_551 = arith.addi %add3A_334, %add3A_550 : i32
        %dma_start3A_552 = arith.constant 0 : i32
        %dma_start3A_553 = tpu.memref_slice %arg5[%add3A_551, %dma_start3A_552] : memref<200x128xi32, #tpu.memory_space<vmem>> -> memref<1x128xi32, #tpu.memory_space<vmem>>
        %dma_start3A_554 = tpu.memref_squeeze %dma_start3A_553 : memref<1x128xi32, #tpu.memory_space<vmem>> -> memref<128xi32, #tpu.memory_space<vmem>>
        %dma_start3A_555 = arith.constant 0 : i32
        %dma_start3A_556 = arith.constant 0 : i32
        %dma_start3A_557 = tpu.memref_slice %arg2[%dma_start3A_555, %dma_start3A_556] : memref<1000000x64xf32, #tpu.memory_space<hbm>> -> memref<1000000x64xf32, #tpu.memory_space<hbm>>
        tpu.enqueue_indirect_dma source(%dma_start3A_557 : memref<1000000x64xf32, #tpu.memory_space<hbm>>) target(%arg7 : memref<128x64xf32, #tpu.memory_space<vmem>>) offsets(%dma_start3A_554 : memref<128xi32, #tpu.memory_space<vmem>>) semaphore(%arg15 : memref<!tpu.dma_semaphore, #tpu.memory_space<semaphore_mem>>)
      } else {
      }
      %mul3A_404 = arith.constant 4 : i32
      %mul3A_405 = arith.muli %mul3A_404, %scan3A_262 : i32
      %add3A_406 = arith.constant 2 : i32
      %add3A_407 = arith.addi %mul3A_405, %add3A_406 : i32
      %dma_wait3A_408 = arith.constant 0 : i32
      %dma_wait3A_409 = arith.constant 0 : i32
      %dma_wait3A_410 = tpu.memref_slice %arg5[%dma_wait3A_408, %dma_wait3A_409] : memref<200x128xi32, #tpu.memory_space<vmem>> -> memref<1x128xi32, #tpu.memory_space<vmem>>
      %dma_wait3A_411 = tpu.memref_squeeze %dma_wait3A_410 : memref<1x128xi32, #tpu.memory_space<vmem>> -> memref<128xi32, #tpu.memory_space<vmem>>
      %dma_wait3A_412 = arith.constant 0 : i32
      %dma_wait3A_413 = arith.constant 0 : i32
      %dma_wait3A_414 = tpu.memref_slice %arg2[%dma_wait3A_412, %dma_wait3A_413] : memref<1000000x64xf32, #tpu.memory_space<hbm>> -> memref<1000000x64xf32, #tpu.memory_space<hbm>>
      tpu.wait_indirect_dma semaphore(%arg16 : memref<!tpu.dma_semaphore, #tpu.memory_space<semaphore_mem>>) src(%dma_wait3A_414 : memref<1000000x64xf32, #tpu.memory_space<hbm>>) dst(%arg8 : memref<128x64xf32, #tpu.memory_space<vmem>>)
      %gt3A_415 = arith.constant 0 : i32
      %gt3A_416 = arith.cmpi sgt, %scan3A_262, %gt3A_415 : i32
      %convert_element_type3A_417 = arith.extui %gt3A_416 : i1 to i32
      %cond3A_418 = arith.constant 0 : i32
      %cond3A_419 = arith.cmpi ne, %convert_element_type3A_417, %cond3A_418 : i32
      scf.if %cond3A_419 {
        %dma_wait3A_550 = arith.constant 0 : i32
        %dma_wait3A_551 = arith.constant 0 : i32
        %dma_wait3A_552 = arith.constant 0 : i32
        %dma_wait3A_553 = arith.constant 0 : i32
        %dma_wait3A_554 = arith.constant 0 : i32
        %dma_wait3A_555 = tpu.memref_slice %arg12[%dma_wait3A_551, %dma_wait3A_552, %dma_wait3A_553, %dma_wait3A_554] : memref<8x1x8x129xf32, #tpu.memory_space<vmem>> -> memref<8x1x8x128xf32, #tpu.memory_space<vmem>>
        %dma_wait3A_556 = arith.constant 0 : i32
        %dma_wait3A_557 = arith.constant 0 : i32
        %dma_wait3A_558 = arith.constant 0 : i32
        %dma_wait3A_559 = arith.constant 0 : i32
        %dma_wait3A_560 = tpu.memref_slice %arg4[%dma_wait3A_550, %dma_wait3A_556, %dma_wait3A_557, %dma_wait3A_558, %dma_wait3A_559] : memref<200x8x32x8x128xf32, #tpu.memory_space<hbm>> -> memref<1x8x1x8x128xf32, #tpu.memory_space<hbm>>
        %dma_wait3A_561 = tpu.memref_squeeze %dma_wait3A_560 : memref<1x8x1x8x128xf32, #tpu.memory_space<hbm>> -> memref<8x1x8x128xf32, #tpu.memory_space<hbm>>
        %dma_wait3A_562 = arith.constant 0 : i32
        %dma_wait3A_563 = arith.constant 0 : i32
        %dma_wait3A_564 = arith.constant 0 : i32
        %dma_wait3A_565 = arith.constant 0 : i32
        %dma_wait3A_566 = tpu.memref_slice %arg4[%dma_wait3A_550, %dma_wait3A_562, %dma_wait3A_563, %dma_wait3A_564, %dma_wait3A_565] : memref<200x8x32x8x128xf32, #tpu.memory_space<hbm>> -> memref<1x8x1x8x128xf32, #tpu.memory_space<hbm>>
        %dma_wait3A_567 = tpu.memref_squeeze %dma_wait3A_566 : memref<1x8x1x8x128xf32, #tpu.memory_space<hbm>> -> memref<8x1x8x128xf32, #tpu.memory_space<hbm>>
        %dma_wait3A_568 = arith.constant 0 : i32
        %dma_wait3A_569 = arith.constant 0 : i32
        %dma_wait3A_570 = arith.constant 0 : i32
        %dma_wait3A_571 = arith.constant 0 : i32
        %dma_wait3A_572 = tpu.memref_slice %arg12[%dma_wait3A_568, %dma_wait3A_569, %dma_wait3A_570, %dma_wait3A_571] : memref<8x1x8x129xf32, #tpu.memory_space<vmem>> -> memref<8x1x8x128xf32, #tpu.memory_space<vmem>>
        tpu.wait_dma2 semaphore(%arg20 : memref<!tpu.dma_semaphore, #tpu.memory_space<semaphore_mem>>) src(%dma_wait3A_572 : memref<8x1x8x128xf32, #tpu.memory_space<vmem>>) dst(%dma_wait3A_567 : memref<8x1x8x128xf32, #tpu.memory_space<hbm>>)
      } else {
      }
      %parallel_loop3A_420 = arith.constant 0 : i32
      %parallel_loop3A_421 = arith.constant 128 : i32
      %parallel_loop3A_422 = arith.constant 1 : i32
      scf.for %parallel_loop3A_550 = %parallel_loop3A_420 to %parallel_loop3A_421 step %parallel_loop3A_422  : i32 {
        %parallel_loop3A_551 = vector.broadcast %parallel_loop3A_550 : i32 to vector<16xi32>
        %parallel_loop3A_552 = arith.index_cast %parallel_loop3A_550 : i32 to index
        %parallel_loop3A_553 = arith.constant 0 : index
        %parallel_loop3A_554 = tpu.vector_load %arg8[%parallel_loop3A_552, %parallel_loop3A_553] {strides = array<i32>} : memref<128x64xf32, #tpu.memory_space<vmem>>, vector<16xf32>,
        tpu.vector_store_idx %arg12[%add3A_28, %broadcast_in_dim3A_138, %rem3A_137, %parallel_loop3A_551], %parallel_loop3A_554 : memref<8x1x8x129xf32, #tpu.memory_space<vmem>>[vector<16xi32>, vector<16xi32>, vector<16xi32>, vector<16xi32>], vector<16xf32>,
        %parallel_loop3A_555 = arith.index_cast %parallel_loop3A_550 : i32 to index
        %parallel_loop3A_556 = arith.constant 16 : index
        %parallel_loop3A_557 = tpu.vector_load %arg8[%parallel_loop3A_555, %parallel_loop3A_556] {strides = array<i32>} : memref<128x64xf32, #tpu.memory_space<vmem>>, vector<16xf32>,
        tpu.vector_store_idx %arg12[%add3A_63, %broadcast_in_dim3A_138, %rem3A_137, %parallel_loop3A_551], %parallel_loop3A_557 : memref<8x1x8x129xf32, #tpu.memory_space<vmem>>[vector<16xi32>, vector<16xi32>, vector<16xi32>, vector<16xi32>], vector<16xf32>,
        %parallel_loop3A_558 = arith.index_cast %parallel_loop3A_550 : i32 to index
        %parallel_loop3A_559 = arith.constant 32 : index
        %parallel_loop3A_560 = tpu.vector_load %arg8[%parallel_loop3A_558, %parallel_loop3A_559] {strides = array<i32>} : memref<128x64xf32, #tpu.memory_space<vmem>>, vector<16xf32>,
        tpu.vector_store_idx %arg12[%add3A_98, %broadcast_in_dim3A_138, %rem3A_137, %parallel_loop3A_551], %parallel_loop3A_560 : memref<8x1x8x129xf32, #tpu.memory_space<vmem>>[vector<16xi32>, vector<16xi32>, vector<16xi32>, vector<16xi32>], vector<16xf32>,
        %parallel_loop3A_561 = arith.index_cast %parallel_loop3A_550 : i32 to index
        %parallel_loop3A_562 = arith.constant 48 : index
        %parallel_loop3A_563 = tpu.vector_load %arg8[%parallel_loop3A_561, %parallel_loop3A_562] {strides = array<i32>} : memref<128x64xf32, #tpu.memory_space<vmem>>, vector<16xf32>,
        tpu.vector_store_idx %arg12[%add3A_133, %broadcast_in_dim3A_138, %rem3A_137, %parallel_loop3A_551], %parallel_loop3A_563 : memref<8x1x8x129xf32, #tpu.memory_space<vmem>>[vector<16xi32>, vector<16xi32>, vector<16xi32>, vector<16xi32>], vector<16xf32>,
      } {sc.loop_unroll_factor = 1 : i64, sc.parallel_access}
      %add3A_423 = arith.addi %mul3A_2, %add3A_407 : i32
      %jit3A_424 = arith.constant 32 : i32
      %div3A_425 = arith.divsi %add3A_423, %jit3A_424 : i32
      %sign3A_426 = arith.constant 0 : i32
      %sign3A_427 = arith.cmpi sgt, %add3A_423, %sign3A_426 : i32
      %sign3A_428 = arith.extui %sign3A_427 : i1 to i32
      %sign3A_429 = arith.constant 0 : i32
      %sign3A_430 = arith.cmpi slt, %add3A_423, %sign3A_429 : i32
      %sign3A_431 = arith.extui %sign3A_430 : i1 to i32
      %sign3A_432 = arith.subi %sign3A_428, %sign3A_431 : i32
      %sign3A_433 = arith.constant 0 : i32
      %sign3A_434 = arith.cmpi sgt, %jit3A_424, %sign3A_433 : i32
      %sign3A_435 = arith.extui %sign3A_434 : i1 to i32
      %sign3A_436 = arith.constant 0 : i32
      %sign3A_437 = arith.cmpi slt, %jit3A_424, %sign3A_436 : i32
      %sign3A_438 = arith.extui %sign3A_437 : i1 to i32
      %sign3A_439 = arith.subi %sign3A_435, %sign3A_438 : i32
      %ne3A_440 = arith.cmpi ne, %sign3A_432, %sign3A_439 : i32
      %rem3A_441 = arith.remsi %add3A_423, %jit3A_424 : i32
      %ne3A_442 = arith.constant 0 : i32
      %ne3A_443 = arith.cmpi ne, %rem3A_441, %ne3A_442 : i32
      %and3A_444 = arith.andi %ne3A_440, %ne3A_443 : i1
      %sub3A_445 = arith.constant 1 : i32
      %sub3A_446 = arith.subi %div3A_425, %sub3A_445 : i32
      %select_n3A_447 = arith.select %and3A_444, %sub3A_446, %div3A_425 : i32
      %rem3A_448 = arith.constant 32 : i32
      %rem3A_449 = arith.remsi %add3A_423, %rem3A_448 : i32
      %dma_start3A_450 = arith.constant 0 : i32
      %dma_start3A_451 = arith.constant 0 : i32
      %dma_start3A_452 = arith.constant 0 : i32
      %dma_start3A_453 = arith.constant 0 : i32
      %dma_start3A_454 = tpu.memref_slice %arg12[%dma_start3A_450, %dma_start3A_451, %dma_start3A_452, %dma_start3A_453] : memref<8x1x8x129xf32, #tpu.memory_space<vmem>> -> memref<8x1x8x128xf32, #tpu.memory_space<vmem>>
      %dma_start3A_455 = arith.constant 0 : i32
      %dma_start3A_456 = arith.constant 0 : i32
      %dma_start3A_457 = arith.constant 0 : i32
      %dma_start3A_458 = tpu.memref_slice %arg4[%select_n3A_447, %dma_start3A_455, %rem3A_449, %dma_start3A_456, %dma_start3A_457] : memref<200x8x32x8x128xf32, #tpu.memory_space<hbm>> -> memref<1x8x1x8x128xf32, #tpu.memory_space<hbm>>
      %dma_start3A_459 = tpu.memref_squeeze %dma_start3A_458 : memref<1x8x1x8x128xf32, #tpu.memory_space<hbm>> -> memref<8x1x8x128xf32, #tpu.memory_space<hbm>>
      %dma_start3A_460 = arith.constant 0 : i32
      %dma_start3A_461 = arith.constant 0 : i32
      %dma_start3A_462 = arith.constant 0 : i32
      %dma_start3A_463 = tpu.memref_slice %arg4[%select_n3A_447, %dma_start3A_460, %rem3A_449, %dma_start3A_461, %dma_start3A_462] : memref<200x8x32x8x128xf32, #tpu.memory_space<hbm>> -> memref<1x8x1x8x128xf32, #tpu.memory_space<hbm>>
      %dma_start3A_464 = tpu.memref_squeeze %dma_start3A_463 : memref<1x8x1x8x128xf32, #tpu.memory_space<hbm>> -> memref<8x1x8x128xf32, #tpu.memory_space<hbm>>
      %dma_start3A_465 = arith.constant 0 : i32
      %dma_start3A_466 = arith.constant 0 : i32
      %dma_start3A_467 = arith.constant 0 : i32
      %dma_start3A_468 = arith.constant 0 : i32
      %dma_start3A_469 = tpu.memref_slice %arg12[%dma_start3A_465, %dma_start3A_466, %dma_start3A_467, %dma_start3A_468] : memref<8x1x8x129xf32, #tpu.memory_space<vmem>> -> memref<8x1x8x128xf32, #tpu.memory_space<vmem>>
      tpu.enqueue_dma source(%dma_start3A_469 : memref<8x1x8x128xf32, #tpu.memory_space<vmem>>) target(%dma_start3A_464 : memref<8x1x8x128xf32, #tpu.memory_space<hbm>>) target_semaphore(%arg20 : memref<!tpu.dma_semaphore, #tpu.memory_space<semaphore_mem>>)
      %add3A_470 = arith.constant 4 : i32
      %add3A_471 = arith.addi %add3A_407, %add3A_470 : i32
      %lt3A_472 = arith.constant 200 : i32
      %lt3A_473 = arith.cmpi slt, %add3A_471, %lt3A_472 : i32
      %convert_element_type3A_474 = arith.extui %lt3A_473 : i1 to i32
      %cond3A_475 = arith.constant 0 : i32
      %cond3A_476 = arith.cmpi ne, %convert_element_type3A_474, %cond3A_475 : i32
      scf.if %cond3A_476 {
        %add3A_550 = arith.constant 4 : i32
        %add3A_551 = arith.addi %add3A_407, %add3A_550 : i32
        %dma_start3A_552 = arith.constant 0 : i32
        %dma_start3A_553 = tpu.memref_slice %arg5[%add3A_551, %dma_start3A_552] : memref<200x128xi32, #tpu.memory_space<vmem>> -> memref<1x128xi32, #tpu.memory_space<vmem>>
        %dma_start3A_554 = tpu.memref_squeeze %dma_start3A_553 : memref<1x128xi32, #tpu.memory_space<vmem>> -> memref<128xi32, #tpu.memory_space<vmem>>
        %dma_start3A_555 = arith.constant 0 : i32
        %dma_start3A_556 = arith.constant 0 : i32
        %dma_start3A_557 = tpu.memref_slice %arg2[%dma_start3A_555, %dma_start3A_556] : memref<1000000x64xf32, #tpu.memory_space<hbm>> -> memref<1000000x64xf32, #tpu.memory_space<hbm>>
        tpu.enqueue_indirect_dma source(%dma_start3A_557 : memref<1000000x64xf32, #tpu.memory_space<hbm>>) target(%arg8 : memref<128x64xf32, #tpu.memory_space<vmem>>) offsets(%dma_start3A_554 : memref<128xi32, #tpu.memory_space<vmem>>) semaphore(%arg16 : memref<!tpu.dma_semaphore, #tpu.memory_space<semaphore_mem>>)
      } else {
      }
      %mul3A_477 = arith.constant 4 : i32
      %mul3A_478 = arith.muli %mul3A_477, %scan3A_262 : i32
      %add3A_479 = arith.constant 3 : i32
      %add3A_480 = arith.addi %mul3A_478, %add3A_479 : i32
      %dma_wait3A_481 = arith.constant 0 : i32
      %dma_wait3A_482 = arith.constant 0 : i32
      %dma_wait3A_483 = tpu.memref_slice %arg5[%dma_wait3A_481, %dma_wait3A_482] : memref<200x128xi32, #tpu.memory_space<vmem>> -> memref<1x128xi32, #tpu.memory_space<vmem>>
      %dma_wait3A_484 = tpu.memref_squeeze %dma_wait3A_483 : memref<1x128xi32, #tpu.memory_space<vmem>> -> memref<128xi32, #tpu.memory_space<vmem>>
      %dma_wait3A_485 = arith.constant 0 : i32
      %dma_wait3A_486 = arith.constant 0 : i32
      %dma_wait3A_487 = tpu.memref_slice %arg2[%dma_wait3A_485, %dma_wait3A_486] : memref<1000000x64xf32, #tpu.memory_space<hbm>> -> memref<1000000x64xf32, #tpu.memory_space<hbm>>
      tpu.wait_indirect_dma semaphore(%arg17 : memref<!tpu.dma_semaphore, #tpu.memory_space<semaphore_mem>>) src(%dma_wait3A_487 : memref<1000000x64xf32, #tpu.memory_space<hbm>>) dst(%arg9 : memref<128x64xf32, #tpu.memory_space<vmem>>)
      %gt3A_488 = arith.constant 0 : i32
      %gt3A_489 = arith.cmpi sgt, %scan3A_262, %gt3A_488 : i32
      %convert_element_type3A_490 = arith.extui %gt3A_489 : i1 to i32
      %cond3A_491 = arith.constant 0 : i32
      %cond3A_492 = arith.cmpi ne, %convert_element_type3A_490, %cond3A_491 : i32
      scf.if %cond3A_492 {
        %dma_wait3A_550 = arith.constant 0 : i32
        %dma_wait3A_551 = arith.constant 0 : i32
        %dma_wait3A_552 = arith.constant 0 : i32
        %dma_wait3A_553 = arith.constant 0 : i32
        %dma_wait3A_554 = arith.constant 0 : i32
        %dma_wait3A_555 = tpu.memref_slice %arg13[%dma_wait3A_551, %dma_wait3A_552, %dma_wait3A_553, %dma_wait3A_554] : memref<8x1x8x129xf32, #tpu.memory_space<vmem>> -> memref<8x1x8x128xf32, #tpu.memory_space<vmem>>
        %dma_wait3A_556 = arith.constant 0 : i32
        %dma_wait3A_557 = arith.constant 0 : i32
        %dma_wait3A_558 = arith.constant 0 : i32
        %dma_wait3A_559 = arith.constant 0 : i32
        %dma_wait3A_560 = tpu.memref_slice %arg4[%dma_wait3A_550, %dma_wait3A_556, %dma_wait3A_557, %dma_wait3A_558, %dma_wait3A_559] : memref<200x8x32x8x128xf32, #tpu.memory_space<hbm>> -> memref<1x8x1x8x128xf32, #tpu.memory_space<hbm>>
        %dma_wait3A_561 = tpu.memref_squeeze %dma_wait3A_560 : memref<1x8x1x8x128xf32, #tpu.memory_space<hbm>> -> memref<8x1x8x128xf32, #tpu.memory_space<hbm>>
        %dma_wait3A_562 = arith.constant 0 : i32
        %dma_wait3A_563 = arith.constant 0 : i32
        %dma_wait3A_564 = arith.constant 0 : i32
        %dma_wait3A_565 = arith.constant 0 : i32
        %dma_wait3A_566 = tpu.memref_slice %arg4[%dma_wait3A_550, %dma_wait3A_562, %dma_wait3A_563, %dma_wait3A_564, %dma_wait3A_565] : memref<200x8x32x8x128xf32, #tpu.memory_space<hbm>> -> memref<1x8x1x8x128xf32, #tpu.memory_space<hbm>>
        %dma_wait3A_567 = tpu.memref_squeeze %dma_wait3A_566 : memref<1x8x1x8x128xf32, #tpu.memory_space<hbm>> -> memref<8x1x8x128xf32, #tpu.memory_space<hbm>>
        %dma_wait3A_568 = arith.constant 0 : i32
        %dma_wait3A_569 = arith.constant 0 : i32
        %dma_wait3A_570 = arith.constant 0 : i32
        %dma_wait3A_571 = arith.constant 0 : i32
        %dma_wait3A_572 = tpu.memref_slice %arg13[%dma_wait3A_568, %dma_wait3A_569, %dma_wait3A_570, %dma_wait3A_571] : memref<8x1x8x129xf32, #tpu.memory_space<vmem>> -> memref<8x1x8x128xf32, #tpu.memory_space<vmem>>
        tpu.wait_dma2 semaphore(%arg21 : memref<!tpu.dma_semaphore, #tpu.memory_space<semaphore_mem>>) src(%dma_wait3A_572 : memref<8x1x8x128xf32, #tpu.memory_space<vmem>>) dst(%dma_wait3A_567 : memref<8x1x8x128xf32, #tpu.memory_space<hbm>>)
      } else {
      }
      %parallel_loop3A_493 = arith.constant 0 : i32
      %parallel_loop3A_494 = arith.constant 128 : i32
      %parallel_loop3A_495 = arith.constant 1 : i32
      scf.for %parallel_loop3A_550 = %parallel_loop3A_493 to %parallel_loop3A_494 step %parallel_loop3A_495  : i32 {
        %parallel_loop3A_551 = vector.broadcast %parallel_loop3A_550 : i32 to vector<16xi32>
        %parallel_loop3A_552 = arith.index_cast %parallel_loop3A_550 : i32 to index
        %parallel_loop3A_553 = arith.constant 0 : index
        %parallel_loop3A_554 = tpu.vector_load %arg9[%parallel_loop3A_552, %parallel_loop3A_553] {strides = array<i32>} : memref<128x64xf32, #tpu.memory_space<vmem>>, vector<16xf32>,
        tpu.vector_store_idx %arg13[%add3A_28, %broadcast_in_dim3A_138, %rem3A_137, %parallel_loop3A_551], %parallel_loop3A_554 : memref<8x1x8x129xf32, #tpu.memory_space<vmem>>[vector<16xi32>, vector<16xi32>, vector<16xi32>, vector<16xi32>], vector<16xf32>,
        %parallel_loop3A_555 = arith.index_cast %parallel_loop3A_550 : i32 to index
        %parallel_loop3A_556 = arith.constant 16 : index
        %parallel_loop3A_557 = tpu.vector_load %arg9[%parallel_loop3A_555, %parallel_loop3A_556] {strides = array<i32>} : memref<128x64xf32, #tpu.memory_space<vmem>>, vector<16xf32>,
        tpu.vector_store_idx %arg13[%add3A_63, %broadcast_in_dim3A_138, %rem3A_137, %parallel_loop3A_551], %parallel_loop3A_557 : memref<8x1x8x129xf32, #tpu.memory_space<vmem>>[vector<16xi32>, vector<16xi32>, vector<16xi32>, vector<16xi32>], vector<16xf32>,
        %parallel_loop3A_558 = arith.index_cast %parallel_loop3A_550 : i32 to index
        %parallel_loop3A_559 = arith.constant 32 : index
        %parallel_loop3A_560 = tpu.vector_load %arg9[%parallel_loop3A_558, %parallel_loop3A_559] {strides = array<i32>} : memref<128x64xf32, #tpu.memory_space<vmem>>, vector<16xf32>,
        tpu.vector_store_idx %arg13[%add3A_98, %broadcast_in_dim3A_138, %rem3A_137, %parallel_loop3A_551], %parallel_loop3A_560 : memref<8x1x8x129xf32, #tpu.memory_space<vmem>>[vector<16xi32>, vector<16xi32>, vector<16xi32>, vector<16xi32>], vector<16xf32>,
        %parallel_loop3A_561 = arith.index_cast %parallel_loop3A_550 : i32 to index
        %parallel_loop3A_562 = arith.constant 48 : index
        %parallel_loop3A_563 = tpu.vector_load %arg9[%parallel_loop3A_561, %parallel_loop3A_562] {strides = array<i32>} : memref<128x64xf32, #tpu.memory_space<vmem>>, vector<16xf32>,
        tpu.vector_store_idx %arg13[%add3A_133, %broadcast_in_dim3A_138, %rem3A_137, %parallel_loop3A_551], %parallel_loop3A_563 : memref<8x1x8x129xf32, #tpu.memory_space<vmem>>[vector<16xi32>, vector<16xi32>, vector<16xi32>, vector<16xi32>], vector<16xf32>,
      } {sc.loop_unroll_factor = 1 : i64, sc.parallel_access}
      %add3A_496 = arith.addi %mul3A_2, %add3A_480 : i32
      %jit3A_497 = arith.constant 32 : i32
      %div3A_498 = arith.divsi %add3A_496, %jit3A_497 : i32
      %sign3A_499 = arith.constant 0 : i32
      %sign3A_500 = arith.cmpi sgt, %add3A_496, %sign3A_499 : i32
      %sign3A_501 = arith.extui %sign3A_500 : i1 to i32
      %sign3A_502 = arith.constant 0 : i32
      %sign3A_503 = arith.cmpi slt, %add3A_496, %sign3A_502 : i32
      %sign3A_504 = arith.extui %sign3A_503 : i1 to i32
      %sign3A_505 = arith.subi %sign3A_501, %sign3A_504 : i32
      %sign3A_506 = arith.constant 0 : i32
      %sign3A_507 = arith.cmpi sgt, %jit3A_497, %sign3A_506 : i32
      %sign3A_508 = arith.extui %sign3A_507 : i1 to i32
      %sign3A_509 = arith.constant 0 : i32
      %sign3A_510 = arith.cmpi slt, %jit3A_497, %sign3A_509 : i32
      %sign3A_511 = arith.extui %sign3A_510 : i1 to i32
      %sign3A_512 = arith.subi %sign3A_508, %sign3A_511 : i32
      %ne3A_513 = arith.cmpi ne, %sign3A_505, %sign3A_512 : i32
      %rem3A_514 = arith.remsi %add3A_496, %jit3A_497 : i32
      %ne3A_515 = arith.constant 0 : i32
      %ne3A_516 = arith.cmpi ne, %rem3A_514, %ne3A_515 : i32
      %and3A_517 = arith.andi %ne3A_513, %ne3A_516 : i1
      %sub3A_518 = arith.constant 1 : i32
      %sub3A_519 = arith.subi %div3A_498, %sub3A_518 : i32
      %select_n3A_520 = arith.select %and3A_517, %sub3A_519, %div3A_498 : i32
      %rem3A_521 = arith.constant 32 : i32
      %rem3A_522 = arith.remsi %add3A_496, %rem3A_521 : i32
      %dma_start3A_523 = arith.constant 0 : i32
      %dma_start3A_524 = arith.constant 0 : i32
      %dma_start3A_525 = arith.constant 0 : i32
      %dma_start3A_526 = arith.constant 0 : i32
      %dma_start3A_527 = tpu.memref_slice %arg13[%dma_start3A_523, %dma_start3A_524, %dma_start3A_525, %dma_start3A_526] : memref<8x1x8x129xf32, #tpu.memory_space<vmem>> -> memref<8x1x8x128xf32, #tpu.memory_space<vmem>>
      %dma_start3A_528 = arith.constant 0 : i32
      %dma_start3A_529 = arith.constant 0 : i32
      %dma_start3A_530 = arith.constant 0 : i32
      %dma_start3A_531 = tpu.memref_slice %arg4[%select_n3A_520, %dma_start3A_528, %rem3A_522, %dma_start3A_529, %dma_start3A_530] : memref<200x8x32x8x128xf32, #tpu.memory_space<hbm>> -> memref<1x8x1x8x128xf32, #tpu.memory_space<hbm>>
      %dma_start3A_532 = tpu.memref_squeeze %dma_start3A_531 : memref<1x8x1x8x128xf32, #tpu.memory_space<hbm>> -> memref<8x1x8x128xf32, #tpu.memory_space<hbm>>
      %dma_start3A_533 = arith.constant 0 : i32
      %dma_start3A_534 = arith.constant 0 : i32
      %dma_start3A_535 = arith.constant 0 : i32
      %dma_start3A_536 = tpu.memref_slice %arg4[%select_n3A_520, %dma_start3A_533, %rem3A_522, %dma_start3A_534, %dma_start3A_535] : memref<200x8x32x8x128xf32, #tpu.memory_space<hbm>> -> memref<1x8x1x8x128xf32, #tpu.memory_space<hbm>>
      %dma_start3A_537 = tpu.memref_squeeze %dma_start3A_536 : memref<1x8x1x8x128xf32, #tpu.memory_space<hbm>> -> memref<8x1x8x128xf32, #tpu.memory_space<hbm>>
      %dma_start3A_538 = arith.constant 0 : i32
      %dma_start3A_539 = arith.constant 0 : i32
      %dma_start3A_540 = arith.constant 0 : i32
      %dma_start3A_541 = arith.constant 0 : i32
      %dma_start3A_542 = tpu.memref_slice %arg13[%dma_start3A_538, %dma_start3A_539, %dma_start3A_540, %dma_start3A_541] : memref<8x1x8x129xf32, #tpu.memory_space<vmem>> -> memref<8x1x8x128xf32, #tpu.memory_space<vmem>>
      tpu.enqueue_dma source(%dma_start3A_542 : memref<8x1x8x128xf32, #tpu.memory_space<vmem>>) target(%dma_start3A_537 : memref<8x1x8x128xf32, #tpu.memory_space<hbm>>) target_semaphore(%arg21 : memref<!tpu.dma_semaphore, #tpu.memory_space<semaphore_mem>>)
      %add3A_543 = arith.constant 4 : i32
      %add3A_544 = arith.addi %add3A_480, %add3A_543 : i32
      %lt3A_545 = arith.constant 200 : i32
      %lt3A_546 = arith.cmpi slt, %add3A_544, %lt3A_545 : i32
      %convert_element_type3A_547 = arith.extui %lt3A_546 : i1 to i32
      %cond3A_548 = arith.constant 0 : i32
      %cond3A_549 = arith.cmpi ne, %convert_element_type3A_547, %cond3A_548 : i32
      scf.if %cond3A_549 {
        %add3A_550 = arith.constant 4 : i32
        %add3A_551 = arith.addi %add3A_480, %add3A_550 : i32
        %dma_start3A_552 = arith.constant 0 : i32
        %dma_start3A_553 = tpu.memref_slice %arg5[%add3A_551, %dma_start3A_552] : memref<200x128xi32, #tpu.memory_space<vmem>> -> memref<1x128xi32, #tpu.memory_space<vmem>>
        %dma_start3A_554 = tpu.memref_squeeze %dma_start3A_553 : memref<1x128xi32, #tpu.memory_space<vmem>> -> memref<128xi32, #tpu.memory_space<vmem>>
        %dma_start3A_555 = arith.constant 0 : i32
        %dma_start3A_556 = arith.constant 0 : i32
        %dma_start3A_557 = tpu.memref_slice %arg2[%dma_start3A_555, %dma_start3A_556] : memref<1000000x64xf32, #tpu.memory_space<hbm>> -> memref<1000000x64xf32, #tpu.memory_space<hbm>>
        tpu.enqueue_indirect_dma source(%dma_start3A_557 : memref<1000000x64xf32, #tpu.memory_space<hbm>>) target(%arg9 : memref<128x64xf32, #tpu.memory_space<vmem>>) offsets(%dma_start3A_554 : memref<128xi32, #tpu.memory_space<vmem>>) semaphore(%arg17 : memref<!tpu.dma_semaphore, #tpu.memory_space<semaphore_mem>>)
      } else {
      }
    }
    %scan3A_170 = arith.constant 50 : i32
    %dma_wait3A = arith.constant 0 : i32
    %dma_wait3A_171 = arith.constant 0 : i32
    %dma_wait3A_172 = arith.constant 0 : i32
    %dma_wait3A_173 = arith.constant 0 : i32
    %dma_wait3A_174 = arith.constant 0 : i32
    %dma_wait3A_175 = tpu.memref_slice %arg10[%dma_wait3A_171, %dma_wait3A_172, %dma_wait3A_173, %dma_wait3A_174] : memref<8x1x8x129xf32, #tpu.memory_space<vmem>> -> memref<8x1x8x128xf32, #tpu.memory_space<vmem>>
    %dma_wait3A_176 = arith.constant 0 : i32
    %dma_wait3A_177 = arith.constant 0 : i32
    %dma_wait3A_178 = arith.constant 0 : i32
    %dma_wait3A_179 = arith.constant 0 : i32
    %dma_wait3A_180 = tpu.memref_slice %arg4[%dma_wait3A, %dma_wait3A_176, %dma_wait3A_177, %dma_wait3A_178, %dma_wait3A_179] : memref<200x8x32x8x128xf32, #tpu.memory_space<hbm>> -> memref<1x8x1x8x128xf32, #tpu.memory_space<hbm>>
    %dma_wait3A_181 = tpu.memref_squeeze %dma_wait3A_180 : memref<1x8x1x8x128xf32, #tpu.memory_space<hbm>> -> memref<8x1x8x128xf32, #tpu.memory_space<hbm>>
    %dma_wait3A_182 = arith.constant 0 : i32
    %dma_wait3A_183 = arith.constant 0 : i32
    %dma_wait3A_184 = arith.constant 0 : i32
    %dma_wait3A_185 = arith.constant 0 : i32
    %dma_wait3A_186 = tpu.memref_slice %arg4[%dma_wait3A, %dma_wait3A_182, %dma_wait3A_183, %dma_wait3A_184, %dma_wait3A_185] : memref<200x8x32x8x128xf32, #tpu.memory_space<hbm>> -> memref<1x8x1x8x128xf32, #tpu.memory_space<hbm>>
    %dma_wait3A_187 = tpu.memref_squeeze %dma_wait3A_186 : memref<1x8x1x8x128xf32, #tpu.memory_space<hbm>> -> memref<8x1x8x128xf32, #tpu.memory_space<hbm>>
    %dma_wait3A_188 = arith.constant 0 : i32
    %dma_wait3A_189 = arith.constant 0 : i32
    %dma_wait3A_190 = arith.constant 0 : i32
    %dma_wait3A_191 = arith.constant 0 : i32
    %dma_wait3A_192 = tpu.memref_slice %arg10[%dma_wait3A_188, %dma_wait3A_189, %dma_wait3A_190, %dma_wait3A_191] : memref<8x1x8x129xf32, #tpu.memory_space<vmem>> -> memref<8x1x8x128xf32, #tpu.memory_space<vmem>>
    tpu.wait_dma2 semaphore(%arg18 : memref<!tpu.dma_semaphore, #tpu.memory_space<semaphore_mem>>) src(%dma_wait3A_192 : memref<8x1x8x128xf32, #tpu.memory_space<vmem>>) dst(%dma_wait3A_187 : memref<8x1x8x128xf32, #tpu.memory_space<hbm>>)
    %dma_wait3A_193 = arith.constant 0 : i32
    %dma_wait3A_194 = arith.constant 0 : i32
    %dma_wait3A_195 = arith.constant 0 : i32
    %dma_wait3A_196 = arith.constant 0 : i32
    %dma_wait3A_197 = arith.constant 0 : i32
    %dma_wait3A_198 = tpu.memref_slice %arg11[%dma_wait3A_194, %dma_wait3A_195, %dma_wait3A_196, %dma_wait3A_197] : memref<8x1x8x129xf32, #tpu.memory_space<vmem>> -> memref<8x1x8x128xf32, #tpu.memory_space<vmem>>
    %dma_wait3A_199 = arith.constant 0 : i32
    %dma_wait3A_200 = arith.constant 0 : i32
    %dma_wait3A_201 = arith.constant 0 : i32
    %dma_wait3A_202 = arith.constant 0 : i32
    %dma_wait3A_203 = tpu.memref_slice %arg4[%dma_wait3A_193, %dma_wait3A_199, %dma_wait3A_200, %dma_wait3A_201, %dma_wait3A_202] : memref<200x8x32x8x128xf32, #tpu.memory_space<hbm>> -> memref<1x8x1x8x128xf32, #tpu.memory_space<hbm>>
    %dma_wait3A_204 = tpu.memref_squeeze %dma_wait3A_203 : memref<1x8x1x8x128xf32, #tpu.memory_space<hbm>> -> memref<8x1x8x128xf32, #tpu.memory_space<hbm>>
    %dma_wait3A_205 = arith.constant 0 : i32
    %dma_wait3A_206 = arith.constant 0 : i32
    %dma_wait3A_207 = arith.constant 0 : i32
    %dma_wait3A_208 = arith.constant 0 : i32
    %dma_wait3A_209 = tpu.memref_slice %arg4[%dma_wait3A_193, %dma_wait3A_205, %dma_wait3A_206, %dma_wait3A_207, %dma_wait3A_208] : memref<200x8x32x8x128xf32, #tpu.memory_space<hbm>> -> memref<1x8x1x8x128xf32, #tpu.memory_space<hbm>>
    %dma_wait3A_210 = tpu.memref_squeeze %dma_wait3A_209 : memref<1x8x1x8x128xf32, #tpu.memory_space<hbm>> -> memref<8x1x8x128xf32, #tpu.memory_space<hbm>>
    %dma_wait3A_211 = arith.constant 0 : i32
    %dma_wait3A_212 = arith.constant 0 : i32
    %dma_wait3A_213 = arith.constant 0 : i32
    %dma_wait3A_214 = arith.constant 0 : i32
    %dma_wait3A_215 = tpu.memref_slice %arg11[%dma_wait3A_211, %dma_wait3A_212, %dma_wait3A_213, %dma_wait3A_214] : memref<8x1x8x129xf32, #tpu.memory_space<vmem>> -> memref<8x1x8x128xf32, #tpu.memory_space<vmem>>
    tpu.wait_dma2 semaphore(%arg19 : memref<!tpu.dma_semaphore, #tpu.memory_space<semaphore_mem>>) src(%dma_wait3A_215 : memref<8x1x8x128xf32, #tpu.memory_space<vmem>>) dst(%dma_wait3A_210 : memref<8x1x8x128xf32, #tpu.memory_space<hbm>>)
    %dma_wait3A_216 = arith.constant 0 : i32
    %dma_wait3A_217 = arith.constant 0 : i32
    %dma_wait3A_218 = arith.constant 0 : i32
    %dma_wait3A_219 = arith.constant 0 : i32
    %dma_wait3A_220 = arith.constant 0 : i32
    %dma_wait3A_221 = tpu.memref_slice %arg12[%dma_wait3A_217, %dma_wait3A_218, %dma_wait3A_219, %dma_wait3A_220] : memref<8x1x8x129xf32, #tpu.memory_space<vmem>> -> memref<8x1x8x128xf32, #tpu.memory_space<vmem>>
    %dma_wait3A_222 = arith.constant 0 : i32
    %dma_wait3A_223 = arith.constant 0 : i32
    %dma_wait3A_224 = arith.constant 0 : i32
    %dma_wait3A_225 = arith.constant 0 : i32
    %dma_wait3A_226 = tpu.memref_slice %arg4[%dma_wait3A_216, %dma_wait3A_222, %dma_wait3A_223, %dma_wait3A_224, %dma_wait3A_225] : memref<200x8x32x8x128xf32, #tpu.memory_space<hbm>> -> memref<1x8x1x8x128xf32, #tpu.memory_space<hbm>>
    %dma_wait3A_227 = tpu.memref_squeeze %dma_wait3A_226 : memref<1x8x1x8x128xf32, #tpu.memory_space<hbm>> -> memref<8x1x8x128xf32, #tpu.memory_space<hbm>>
    %dma_wait3A_228 = arith.constant 0 : i32
    %dma_wait3A_229 = arith.constant 0 : i32
    %dma_wait3A_230 = arith.constant 0 : i32
    %dma_wait3A_231 = arith.constant 0 : i32
    %dma_wait3A_232 = tpu.memref_slice %arg4[%dma_wait3A_216, %dma_wait3A_228, %dma_wait3A_229, %dma_wait3A_230, %dma_wait3A_231] : memref<200x8x32x8x128xf32, #tpu.memory_space<hbm>> -> memref<1x8x1x8x128xf32, #tpu.memory_space<hbm>>
    %dma_wait3A_233 = tpu.memref_squeeze %dma_wait3A_232 : memref<1x8x1x8x128xf32, #tpu.memory_space<hbm>> -> memref<8x1x8x128xf32, #tpu.memory_space<hbm>>
    %dma_wait3A_234 = arith.constant 0 : i32
    %dma_wait3A_235 = arith.constant 0 : i32
    %dma_wait3A_236 = arith.constant 0 : i32
    %dma_wait3A_237 = arith.constant 0 : i32
    %dma_wait3A_238 = tpu.memref_slice %arg12[%dma_wait3A_234, %dma_wait3A_235, %dma_wait3A_236, %dma_wait3A_237] : memref<8x1x8x129xf32, #tpu.memory_space<vmem>> -> memref<8x1x8x128xf32, #tpu.memory_space<vmem>>
    tpu.wait_dma2 semaphore(%arg20 : memref<!tpu.dma_semaphore, #tpu.memory_space<semaphore_mem>>) src(%dma_wait3A_238 : memref<8x1x8x128xf32, #tpu.memory_space<vmem>>) dst(%dma_wait3A_233 : memref<8x1x8x128xf32, #tpu.memory_space<hbm>>)
    %dma_wait3A_239 = arith.constant 0 : i32
    %dma_wait3A_240 = arith.constant 0 : i32
    %dma_wait3A_241 = arith.constant 0 : i32
    %dma_wait3A_242 = arith.constant 0 : i32
    %dma_wait3A_243 = arith.constant 0 : i32
    %dma_wait3A_244 = tpu.memref_slice %arg13[%dma_wait3A_240, %dma_wait3A_241, %dma_wait3A_242, %dma_wait3A_243] : memref<8x1x8x129xf32, #tpu.memory_space<vmem>> -> memref<8x1x8x128xf32, #tpu.memory_space<vmem>>
    %dma_wait3A_245 = arith.constant 0 : i32
    %dma_wait3A_246 = arith.constant 0 : i32
    %dma_wait3A_247 = arith.constant 0 : i32
    %dma_wait3A_248 = arith.constant 0 : i32
    %dma_wait3A_249 = tpu.memref_slice %arg4[%dma_wait3A_239, %dma_wait3A_245, %dma_wait3A_246, %dma_wait3A_247, %dma_wait3A_248] : memref<200x8x32x8x128xf32, #tpu.memory_space<hbm>> -> memref<1x8x1x8x128xf32, #tpu.memory_space<hbm>>
    %dma_wait3A_250 = tpu.memref_squeeze %dma_wait3A_249 : memref<1x8x1x8x128xf32, #tpu.memory_space<hbm>> -> memref<8x1x8x128xf32, #tpu.memory_space<hbm>>
    %dma_wait3A_251 = arith.constant 0 : i32
    %dma_wait3A_252 = arith.constant 0 : i32
    %dma_wait3A_253 = arith.constant 0 : i32
    %dma_wait3A_254 = arith.constant 0 : i32
    %dma_wait3A_255 = tpu.memref_slice %arg4[%dma_wait3A_239, %dma_wait3A_251, %dma_wait3A_252, %dma_wait3A_253, %dma_wait3A_254] : memref<200x8x32x8x128xf32, #tpu.memory_space<hbm>> -> memref<1x8x1x8x128xf32, #tpu.memory_space<hbm>>
    %dma_wait3A_256 = tpu.memref_squeeze %dma_wait3A_255 : memref<1x8x1x8x128xf32, #tpu.memory_space<hbm>> -> memref<8x1x8x128xf32, #tpu.memory_space<hbm>>
    %dma_wait3A_257 = arith.constant 0 : i32
    %dma_wait3A_258 = arith.constant 0 : i32
    %dma_wait3A_259 = arith.constant 0 : i32
    %dma_wait3A_260 = arith.constant 0 : i32
    %dma_wait3A_261 = tpu.memref_slice %arg13[%dma_wait3A_257, %dma_wait3A_258, %dma_wait3A_259, %dma_wait3A_260] : memref<8x1x8x129xf32, #tpu.memory_space<vmem>> -> memref<8x1x8x128xf32, #tpu.memory_space<vmem>>
    tpu.wait_dma2 semaphore(%arg21 : memref<!tpu.dma_semaphore, #tpu.memory_space<semaphore_mem>>) src(%dma_wait3A_261 : memref<8x1x8x128xf32, #tpu.memory_space<vmem>>) dst(%dma_wait3A_256 : memref<8x1x8x128xf32, #tpu.memory_space<hbm>>)
    return
  }
}

</mosaic_0001>

<sc_bundles>
// kernel: kernel.3.cloned.1.call-start
scs
__scs_entry_jumppad:
0x0: {  	(pc) =	sbr.rel $0x88, $3  }
0x1: {  	(tag) =	ssettag $0x0;
	lr =	simm.s32 $0x1  }
0x2: {  	[smem:$0x3F9F] =	sst lr;
	_ =	strace $0xD0000000  }
0x3: {  	_ = 	snop  }
0x4: {  	_ = 	snop  }
0x5: {  	_ = 	snop  }
0x6: {  	_ = 	snop  }
0x7: {  	_ = 	snop  }
__scs_overlays_trampoline_lowered:
0x8: {  	[smem:$0x3FAE] =	sst s0  }
0x9: {  	[smem:$0x3FAF] =	sst s1  }
0xa: {  	[smem:$0x3FB0] =	sst s2  }
0xb: {  	[smem:$0x3FB1] =	sst s3  }
0xc: {  	[smem:$0x3FB2] =	sst s4  }
0xd: {  	[smem:$0x3FB3] =	sst s5  }
0xe: {  	[smem:$0x3FB4] =	sst s6  }
0xf: {  	[smem:$0x3FB5] =	sst s7  }
0x10: {  	[smem:$0x3FB6] =	sst s8  }
0x11: {  	[smem:$0x3FB7] =	sst s9;
	s0 =	simm.s32 @!p0 $0x0  }
0x12: {  	s1 =	sld [smem:$0x3F9D];
	s0 =	simm.s32 @p0 $0x1  }
0x13: {  	[smem:$0x3FB8] =	sst s0;
	s0 =	simm.s32 @!p1 $0x0  }
0x14: {  	s2 =	sld [smem:$0x3F9C];
	s0 =	simm.s32 @p1 $0x1  }
0x15: {  	[smem:$0x3FB9] =	sst s0;
	s0 =	simm.s32 @!p2 $0x0  }
0x16: {  	s3 =	sld [smem:$0x3FDB];
	s0 =	simm.s32 @p2 $0x1  }
0x17: {  	s4 =	simm.s32 $0x1BF5;
	[smem:$0x3FBB] =	sst s0  }
0x18: {  	s0 =	sld [smem:$0x3F9E];
	_ =	swait.ge [sflag:s4], $0x0  }
0x19: {  	s7 =	sld [smem:$0x3F9F]  }
0x1a: {  	s8 =	sadd.s32 $0xFFFFE003, lr  }
0x1b: {  	s9 =	sadd.s32 $0xFFFFFEF7, lr;
	s5 =	simm.s32 $0xFFFFFFFF;
	p2 =	slt.u32 s8, $0xFFFFF086  }
0x1c: {  	p1 =	slt.u32 s9, $0xF7A;
	s5 =	simm.s32 @!p2 $0x0  }
0x1d: {  	s5 =	simm.s32 @p1 $0x1;
	p0 =	seq.s32 s7, s2  }
0x1e: {  	s7 =	smul.u32 @!p0 $0xF7A, s2;
	p2 =	seq.s32 @!p0 s5, $0x0  }
0x1f: {  	s9 =	smul.u32 $0xF7A, s1;
	s8 =	simm.s32 @!p0 $0x1BF5;
	p2 =	por !p2, p0  }
0x20: {  	[sflag:s8] =	ssyncset.s32 @!p0 $0xFFFFF086;
	s6 =	sadd.s32 @!p0 s3, s7;
	s7 =	simm.s32 @!p0 $0x108  }
0x21: {  	s3 =	sadd.s32 s3, s9;
	s6 =	sadd.s32 @!p0 $0x88, s6;
	s7 =	simm.s32 @p2 $0x1082  }
0x22: {  	[simem:s7], [sflag:s8] =	dma.local @!p0 [hbm:s6], $0xF7A  }
0x23: {  	s9 =	sor.u32 $0xD0000000, s2;
	s6 =	simm.s32 $0x108;
	_ =	swait.ge @!p0 [sflag:s8], $0x0  }
0x24: {  	s3 =	sadd.s32 $0x88, s3;
	s6 =	simm.s32 @!p1 $0x1082;
	[sflag:s4] =	ssyncset.s32 $0xFFFFF086  }
0x25: {  	[simem:s6], [sflag:s4] =	dma.local [hbm:s3], $0xF7A  }
0x26: {  	[smem:$0x3F9F] =	sst s1;
	(tag) =	ssettag s2;
	_ =	strace s9  }
0x27: {  	s1 =	sld [smem:$0x3FAF]  }
0x28: {  	s2 =	sld [smem:$0x3FB0]  }
0x29: {  	s4 =	sld [smem:$0x3FB2]  }
0x2a: {  	p0 =	seq.s32 s5, $0x0;
	s5 =	sld [smem:$0x3FB3]  }
0x2b: {  	s6 =	sld [smem:$0x3FB4]  }
0x2c: {  	s7 =	sld [smem:$0x3FB5]  }
0x2d: {  	s3 =	simm.s32 $0x108;
	s8 =	sld [smem:$0x3FB6]  }
0x2e: {  	s3 =	simm.s32 @!p0 $0x1082;
	s9 =	sld [smem:$0x3FB7]  }
0x2f: {  	lr =	sadd.s32 s0, s3;
	s0 =	sld [smem:$0x3FAE]  }
0x30: {  	s3 =	sld [smem:$0x3FB1]  }
0x31: {  	[smem:$0x3FBA] =	sst s10  }
0x32: {  	s10 =	sld [smem:$0x3FB8];
	_ =	sdelay $0x3  }
0x33: {  	p0 =	seq.s32 s10, $0x1;
	s10 =	sld [smem:$0x3FBA];
	_ =	sdelay $0x3  }
0x34: {  	[smem:$0x3FBA] =	sst s10  }
0x35: {  	s10 =	sld [smem:$0x3FB9];
	_ =	sdelay $0x3  }
0x36: {  	p1 =	seq.s32 s10, $0x1;
	s10 =	sld [smem:$0x3FBA];
	_ =	sdelay $0x3  }
0x37: {  	[smem:$0x3FBA] =	sst s10  }
0x38: {  	s10 =	sld [smem:$0x3FBB]  }
0x39: {  	_ = 	snop;
	(pc) =	sbr.ind lr, $3  }
0x3a: {  	_ = 	snop  }
0x3b: {  	_ = 	snop  }
0x3c: {  	p2 =	seq.s32 s10, $0x1;
	s10 =	sld [smem:$0x3FBA]  }
0x3d: {  	_ =	shalt  }
0x3e: {  	_ =	shalt  }
0x3f: {  	_ =	shalt  }
0x40: {  	_ =	shalt  }
0x41: {  	_ =	shalt  }
0x42: {  	_ =	shalt  }
0x43: {  	_ =	shalt  }
0x44: {  	_ =	shalt  }
0x45: {  	_ =	shalt  }
0x46: {  	_ =	shalt  }
0x47: {  	_ =	shalt  }
0x48: {  	_ =	shalt  }
0x49: {  	_ =	shalt  }
0x4a: {  	_ =	shalt  }
0x4b: {  	_ =	shalt  }
0x4c: {  	_ =	shalt  }
0x4d: {  	_ =	shalt  }
0x4e: {  	_ =	shalt  }
0x4f: {  	_ =	shalt  }
0x50: {  	_ =	shalt  }
0x51: {  	_ =	shalt  }
0x52: {  	_ =	shalt  }
0x53: {  	_ =	shalt  }
0x54: {  	_ =	shalt  }
0x55: {  	_ =	shalt  }
0x56: {  	_ =	shalt  }
0x57: {  	_ =	shalt  }
0x58: {  	_ =	shalt  }
0x59: {  	_ =	shalt  }
0x5a: {  	_ =	shalt  }
0x5b: {  	_ =	shalt  }
0x5c: {  	_ =	shalt  }
0x5d: {  	_ =	shalt  }
0x5e: {  	_ =	shalt  }
0x5f: {  	_ =	shalt  }
0x60: {  	_ =	shalt  }
0x61: {  	_ =	shalt  }
0x62: {  	_ =	shalt  }
0x63: {  	_ =	shalt  }
0x64: {  	_ =	shalt  }
0x65: {  	_ =	shalt  }
0x66: {  	_ =	shalt  }
0x67: {  	_ =	shalt  }
0x68: {  	_ =	shalt  }
0x69: {  	_ =	shalt  }
0x6a: {  	_ =	shalt  }
0x6b: {  	_ =	shalt  }
0x6c: {  	_ =	shalt  }
0x6d: {  	_ =	shalt  }
0x6e: {  	_ =	shalt  }
0x6f: {  	_ =	shalt  }
0x70: {  	_ =	shalt  }
0x71: {  	_ =	shalt  }
0x72: {  	_ =	shalt  }
0x73: {  	_ =	shalt  }
0x74: {  	_ =	shalt  }
0x75: {  	_ =	shalt  }
0x76: {  	_ =	shalt  }
0x77: {  	_ =	shalt  }
0x78: {  	_ =	shalt  }
0x79: {  	_ =	shalt  }
0x7a: {  	_ =	shalt  }
0x7b: {  	_ =	shalt  }
0x7c: {  	_ =	shalt  }
0x7d: {  	_ =	shalt  }
0x7e: {  	_ =	shalt  }
0x7f: {  	_ =	shalt  }
0x80: {  	_ =	shalt  }
0x81: {  	_ =	shalt  }
0x82: {  	_ =	shalt  }
0x83: {  	_ =	shalt  }
0x84: {  	_ =	shalt  }
0x85: {  	_ =	shalt  }
0x86: {  	_ =	shalt  }
0x87: {  	_ =	shalt  }
.Lfunc_end0:
.L_simem_size_0:
called_computation_lowered:
.L_overlay_start_0:
0x88: {  	s2 =	sld [smem:$0x3FD9]  }
0x89: {  	s3 =	sld [smem:$0x3FFE];
	_ =	sdelay $0x1  }
0x8a: {  	s1 =	srdreg.scid  }
0x8b: {  	s0 =	sand.u32 $0x1, s1  }
0x8c: {  	s17 =	sshll.u32 s0, $0xA;
	s2 =	sadd.s32 s3, s2  }
0x8d: {  	s2 =	sadd.s32 s2, s17  }
0x8e: {  	[smem:$0x3FC6] =	sst s2  }
0x8f: {  	_ = 	snop  }
0x90: {  	s2 =	sld [smem:$0x3FD0];
	(tm) =	ssettm $0x1  }
0x91: {  	s18 =	sld [smem:$0x3FFB];
	_ =	sdelay $0x3  }
0x92: {  	_ =	strace s18  }
0x93: {  	s3 =	sld [smem:$0x3FFC];
	_ =	sdelay $0x3  }
0x94: {  	_ =	strace s3  }
0x95: {  	s3 =	sld [smem:$0x3FFD];
	_ =	sdelay $0x3  }
0x96: {  	_ =	strace s3  }
0x97: {  	_ =	strace $0x8FFFFFFF  }
0x98: {  	s19 =	sld [smem:$0x3FDB];
	_ =	sdelay $0x1  }
0x99: {  	s4 =	simm.s32 $_scs_section_size  }
0x9a: {  	s5 =	simm.s32 $_size__tile_overlayer_lowered;
	s6 =	simm.s32 $_tile_overlayer_lowered  }
0x9b: {  	s22 =	simm.s32 $0x1BFF;
	s21 =	sshll.u32 s6, $0x1;
	s3 =	sadd.s32 s4, s19  }
0x9c: {  	s7 =	simm.s32 $0x0;
	s20 =	sshll.u32 s5, $0x1;
	s5 =	sadd.s32 s21, s3  }
0x9d: {  	[timem:s7], [sflag:s22] =	dma.local [hbm:s5], s20  }
0x9e: {  	_ =	swait.ge [sflag:s22], s20  }
0x9f: {  	s4 =	ssub.s32 $0x0, s20;
	[sflag:s22] =	ssyncset.done $0x0  }
0xa0: {  	[sflag:s22] =	ssyncadd.s32 s4;
	_ =	sdelay $0x1  }
0xa1: {  	s23 =	simm.s32 $0x1B8B  }
0xa2: {  	_ =	swait.ge [sflag:s23], $0x1  }
0xa3: {  	[sflag:s23] =	ssyncset.done $0x0  }
0xa4: {  	s25 =	simm.s32 $0x1B8E;
	s24 =	sld [smem:$0x3FFE];
	[sflag:s23] =	ssyncadd.s32 $0xFFFFFFFF  }
0xa5: {  	s26 =	simm.s32 $execute0_lowered;
	[smem:$0x3FD2] =	sst s25  }
0xa6: {  	s5 =	sshll.u32 s26, $0x1;
	_ =	strace $0x80000046;
	[dreg:$0x1] =	wrdreg $0xFFFFFFFF  }
0xa7: {  	s28 =	simm.s32 $_size_execute0_lowered;
	s3 =	sadd.s32 s3, s5;
	[dreg:$0x0] =	wrdreg $0x0  }
0xa8: {  	s5 =	sshll.u32 s28, $0x1;
	[dreg:$0x2] =	wrdreg s3  }
0xa9: {  	[dreg:$0x3] =	wrdreg s5  }
0xaa: {  	[dreg:$0x4] =	wrdreg $0xC0  }
0xab: {  	_ =	task [dreg:s7], $0x5FFFF  }
0xac: {  	[dreg:$0x1] =	wrdreg $0xFFFFFFFF  }
0xad: {  	[dreg:$0x0] =	wrdreg $0x60  }
0xae: {  	[dreg:$0x2] =	wrdreg s24  }
0xaf: {  	[dreg:$0x3] =	wrdreg s2  }
0xb0: {  	[dreg:$0x4] =	wrdreg $0x9  }
0xb1: {  	_ =	task.clear_ibuf [dreg:s7], $0x5FFFF;
	_ =	strace $0x90000046  }
0xb2: {  	s29 =	simm.s32 $0x9;
	_ =	strace $0x80000048  }
0xb3: {  	_ =	swait.ge [sflag:s29], $0x1  }
0xb4: {  	[sflag:s29] =	ssyncadd.s32 $0xFFFFFFFF  }
0xb5: {  	_ =	strace $0x90000048  }
0xb6: {  	_ =	sfence  }
0xb7: {  	s30 =	sld [smem:$0x0];
	_ =	sdelay $0x2  }
0xb8: {  	s31 =	sshll.u32 s1, $0xD;
	s1 =	sshrl.u32 s1, $0x2  }
0xb9: {  	s3 =	sand.u32 $0x4000, s31;
	s1 =	sadd.s32 s1, s30  }
0xba: {  	s0 =	sor.u32 s3, s0;
	s1 =	sshll.u32 s1, $0x11  }
0xbb: {  	s0 =	sor.u32 s1, s0  }
0xbc: {  	s0 =	sadd.s32 $0x8F2B, s0  }
0xbd: {  	[sflag:s0] =	ssyncadd.remote.s32 $0x1  }
0xbe: {  	_ =	sfence.sel $0xFFFF  }
0xbf: {  	[dreg:$0x0] =	wrdreg $0xFFFFFFFF;
	(pc) =	sbr.abs _section_cstart, $3  }
0xc0: {  	[dreg:$0x1] =	wrdreg $0xFFFFFFFF  }
0xc1: {  	_ =	task.clear_ibuf [dreg:s7], $0x2FFFF;
	_ =	strace $0x9FFFFFFF  }
0xc2: {  	(tm) =	ssettm $0x7FFFFFFF  }
0xc3: {  	_ =	shalt  }
tec
execute0_lowered:
.L_overlay_start_1:
0x0: {  	(tag) =	ssettag $0x1  }
0x1: {  	s0 =	rddreg [dreg:$0x0]  }
0x2: {  	s1 =	srdreg.scid;
	s3 =	stileid.u32  }
0x3: {  	s2 =	rddreg [dreg:$0x1];
	s8 =	simm.s32 $0x9;
	s9 =	simm.s32 $0x80  }
0x4: {  	s15 =	simm.s32 $0xC400;
	s16 =	simm.s32 $0x1;
	s17 =	simm.s32 $0xE400  }
0x5: {  	s18 =	simm.s32 $0x2;
	s19 =	simm.s32 $0x10600;
	s20 =	simm.s32 $0x3  }
0x6: {  	s21 =	simm.s32 $0x12800;
	s22 =	simm.s32 $0x4;
	s23 =	simm.s32 $0x14A00  }
0x7: {  	s24 =	simm.s32 $0x5;
	s25 =	simm.s32 $0x6;
	s26 =	simm.s32 $0x7  }
0x8: {  	s28 =	simm.s32 $0x8;
	s1 =	sand.u32 $0x1, s1;
	s4 =	sshll.u32 s3, $0x1  }
.Ltmp0:
0x9: {  	s29 =	simm.s32 $0x0;
	s5 =	sor.u32 s1, s4;
	(pc) =	sbr.rel .LBB2_1-.Ltmp0, $4  }
0xa: {  	v0 =	vlaneseq.u32;
	s3 =	simm.s32 $0x0;
	s1 =	ssub.s32 $0x2, s1;
	s6 =	smul.u32 $0xC80, s5  }
0xb: {  	v0 =	vmul.u32 $0x88, v0;
	[smem:$0x7FF] =	sst s3;
	s4 =	sadd.s32 $0xF42A00, s0;
	s7 =	sshrl.u32 s1, $0x1  }
0xc: {  	_ =	strace $0x80000047;
	s1 =	ssub.s32 s1, s7;
	s0 =	sadd.s32 s6, s0  }
0xd: {  	s5 =	smul.u32 $0xC8, s5;
	v1 =	vadd.s32 $0x880, v0;
	v2 =	vadd.s32 $0x1100, v0;
	v3 =	vadd.s32 $0x1980, v0;
	s7 =	smax.u32 s1, $0x1;
	s6 =	sadd.s32 $0x600, s0  }
.LBB2_20:
0xe: {  	_ =	swait.ge [sflag:s24], $0x2000  }
0xf: {  	[sflag:s24] =	ssyncset.done $0x0  }
0x10: {  	[sflag:s24] =	ssyncadd.s32 $0xFFFFE000  }
0x11: {  	_ =	swait.ge [sflag:s25], $0x2000  }
0x12: {  	[sflag:s25] =	ssyncset.done $0x0  }
0x13: {  	s29 =	sadd.s32 $0x1, s29;
	[sflag:s25] =	ssyncadd.s32 $0xFFFFE000  }
0x14: {  	p0 =	sne.s32 s29, s7;
	_ =	swait.ge [sflag:s26], $0x2000  }
.Ltmp1:
0x15: {  	[sflag:s26] =	ssyncset.done $0x0;
	(pc) =	sbr.rel @!p0 .LBB2_21-.Ltmp1, $4  }
0x16: {  	[sflag:s26] =	ssyncadd.s32 $0xFFFFE000  }
0x17: {  	_ =	swait.ge [sflag:s28], $0x2000  }
0x18: {  	[sflag:s28] =	ssyncset.done $0x0  }
0x19: {  	[sflag:s28] =	ssyncadd.s32 $0xFFFFE000  }
.LBB2_1:
0x1a: {  	[tilespmem:s3], [sflag:$0x9] =	stream.linear.gather [hbm4b:s6+s3], $0x6400, $0x38;
	[tilespmem:$0x16C00] =	vst v63  }
0x1b: {  	_ =	swait.ge [sflag:s8], $0x6400  }
0x1c: {  	[sflag:s8] =	ssyncset.done $0x0  }
0x1d: {  	s0 =	simm.s32 $0x6400;
	[sflag:s8] =	ssyncadd.s32 $0xFFFF9C00  }
0x1e: {  	[tilespmem:s0], [sflag:$0x1] =	stream.indirect.gather [hbm4b:s4+s9], $0x40, s3, s9, $0xb8;
	[tilespmem:$0x16C00] =	vst v63  }
0x1f: {  	s13 =	simm.s32 $0x8400  }
0x20: {  	[tilespmem:s13], [sflag:$0x2] =	stream.indirect.gather [hbm4b:s4+s9], $0x40, s9, s9, $0xb8;
	[tilespmem:$0x16C00] =	vst v63  }
0x21: {  	s14 =	simm.s32 $0x100;
	s1 =	simm.s32 $0xA400  }
0x22: {  	[tilespmem:s1], [sflag:$0x3] =	stream.indirect.gather [hbm4b:s4+s9], $0x40, s14, s9, $0xb8;
	[tilespmem:$0x16C00] =	vst v63  }
0x23: {  	s31 =	simm.s32 $0x180;
	s30 =	simm.s32 $0x0  }
0x24: {  	[tilespmem:s15], [sflag:$0x4] =	stream.indirect.gather [hbm4b:s4+s9], $0x40, s31, s9, $0xb8;
	[tilespmem:$0x16C00] =	vst v63  }
.LBB2_2:
0x25: {  	_ =	swait.ge [sflag:s16], $0x2000  }
0x26: {  	p0 =	seq.s32 s30, $0x0;
	[sflag:s16] =	ssyncset.done $0x0  }
0x27: {  	s0 =	simm.s32 @!p0 $0x5;
	[sflag:s16] =	ssyncadd.s32 $0xFFFFE000  }
0x28: {  	s1 =	simm.s32 $0x0;
	_ =	swait.ge @!p0 [sflag:s0], $0x2000  }
0x29: {  	v4 =	vmov s1;
	[sflag:s0] =	ssyncset.done @!p0 $0x0  }
0x2a: {  	s10 =	simm.s32 $0x6420;
	v8 =	vand.u32 $0x7F, v4;
	[sflag:s0] =	ssyncadd.s32 @!p0 $0xFFFFE000  }
0x2b: {  	v6 =	vadd.s32 v0, v8;
	v5 =	vld [tilespmem:s10+$0xFFFFFFE0];
	_ =	sdelay $0x1  }
0x2c: {  	s13 =	simm.s32 $0x1  }
0x2d: {  	v4 =	vmov s13  }
0x2e: {  	s1 =	simm.s32 $0x6460;
	v4 =	vand.u32 $0x7F, v4  }
0x2f: {  	v7 =	vadd.s32 v0, v4;
	[tilespmem:v6+s17+$0x0] =	vst.idx.msk $0xffff, v5;
	v6 =	vld [tilespmem:s1+$0xFFFFFFE0]  }
0x30: {  	v10 =	vadd.s32 v1, v8;
	v9 =	vld [tilespmem:s10+$0xFFFFFFF0]  }
0x31: {  	s14 =	simm.s32 $0x2  }
0x32: {  	v5 =	vmov s14  }
0x33: {  	s0 =	simm.s32 $0x64A0;
	v5 =	vand.u32 $0x7F, v5  }
0x34: {  	[tilespmem:v7+s17+$0x0] =	vst.idx.msk $0xffff, v6;
	v6 =	vld [tilespmem:s0+$0xFFFFFFE0];
	v7 =	vadd.s32 v0, v5  }
0x35: {  	v11 =	vadd.s32 v1, v4;
	[tilespmem:v10+s17+$0x0] =	vst.idx.msk $0xffff, v9;
	v9 =	vld [tilespmem:s1+$0xFFFFFFF0]  }
0x36: {  	v14 =	vadd.s32 v2, v8;
	v12 =	vld [tilespmem:s10+$0x0]  }
0x37: {  	s12 =	simm.s32 $0x3  }
0x38: {  	v13 =	vmov s12  }
0x39: {  	s11 =	simm.s32 $0x64E0;
	[tilespmem:v7+s17+$0x0] =	vst.idx.msk $0xffff, v6;
	v6 =	vand.u32 $0x7F, v13  }
0x3a: {  	v10 =	vld [tilespmem:s11+$0xFFFFFFE0];
	[tilespmem:v11+s17+$0x0] =	vst.idx.msk $0xffff, v9;
	v13 =	vadd.s32 v0, v6  }
0x3b: {  	v11 =	vld [tilespmem:s0+$0xFFFFFFF0];
	[tilespmem:v14+s17+$0x0] =	vst.idx.msk $0xffff, v12;
	v14 =	vadd.s32 v1, v5  }
0x3c: {  	v9 =	vld [tilespmem:s1+$0x0];
	v12 =	vadd.s32 v2, v4  }
0x3d: {  	s31 =	sshll.u32 s30, $0x2;
	s12 =	simm.s32 $0x4;
	v8 =	vadd.s32 v3, v8;
	v7 =	vld [tilespmem:s10+$0x10];
	s10 =	simm.s32 $0x64E0  }
.LBB2_3:
0x3e: {  	v15 =	vmov s12;
	p1 =	sne.s32 s12, $0x7F  }
.Ltmp2:
0x3f: {  	s11 =	sadd.s32 $0x40, s11;
	v15 =	vand.u32 $0x7F, v15;
	[tilespmem:v13+s17+$0x0] =	vst.idx.msk $0xffff, v10;
	(pc) =	sbr.rel @p1 .LBB2_3-.Ltmp2, $4  }
0x40: {  	v10 =	vld [tilespmem:s11+$0xFFFFFFE0];
	v13 =	vadd.s32 v0, v15;
	[tilespmem:v14+s17+$0x0] =	vst.idx.msk $0xffff, v11  }
0x41: {  	s12 =	sadd.s32 $0x1, s12;
	v14 =	vadd.s32 v1, v6;
	v11 =	vld [tilespmem:s10+$0xFFFFFFF0];
	[tilespmem:v12+s17+$0x0] =	vst.idx.msk $0xffff, v9  }
0x42: {  	v12 =	vadd.s32 v2, v5;
	v9 =	vld [tilespmem:s0+$0x0];
	[tilespmem:v8+s17+$0x0] =	vst.idx.msk $0xffff, v7  }
0x43: {  	v8 =	vadd.s32 v3, v4;
	v4 =	vmovc v5;
	v5 =	vmov v6;
	v6 =	vmov v15;
	v7 =	vld [tilespmem:s1+$0x10];
	s1 =	smov.u32 s0;
	s0 =	smov.u32 s10;
	s10 =	smov.u32 s11  }
0x44: {  	_ =	sdelay $0x3  }
0x45: {  	[tilespmem:v13+s17+$0x0] =	vst.idx.msk $0xffff, v10  }
0x46: {  	v60 =	vadd.s32 v1, v6;
	v10 =	vld [tilespmem:s10+$0xFFFFFFF0];
	_ =	sdelay $0x3  }
0x47: {  	[tilespmem:v14+s17+$0x0] =	vst.idx.msk $0xffff, v11  }
0x48: {  	v61 =	vadd.s32 v2, v5;
	v11 =	vld [tilespmem:s0+$0x0];
	[tilespmem:v60+s17+$0x0] =	vst.idx.msk $0xffff, v10  }
0x49: {  	v62 =	vadd.s32 v2, v6;
	v10 =	vld [tilespmem:s10+$0x0];
	_ =	sdelay $0x2  }
0x4a: {  	[tilespmem:v12+s17+$0x0] =	vst.idx.msk $0xffff, v9  }
0x4b: {  	v4 =	vadd.s32 v3, v4;
	v9 =	vld [tilespmem:s1+$0x10];
	[tilespmem:v61+s17+$0x0] =	vst.idx.msk $0xffff, v11  }
0x4c: {  	v5 =	vadd.s32 v3, v5;
	v11 =	vld [tilespmem:s0+$0x10];
	[tilespmem:v62+s17+$0x0] =	vst.idx.msk $0xffff, v10  }
0x4d: {  	v63 =	vadd.s32 v3, v6;
	v10 =	vld [tilespmem:s10+$0x10]  }
0x4e: {  	s13 =	sadd.s32 s5, s31  }
0x4f: {  	s14 =	sshll.u32 s13, $0x7;
	[tilespmem:v8+s17+$0x0] =	vst.idx.msk $0xffff, v7  }
0x50: {  	s1 =	sand.u32 $0xE00, s14;
	[tilespmem:v4+s17+$0x0] =	vst.idx.msk $0xffff, v9;
	s0 =	sshll.u32 s13, $0xA  }
0x51: {  	s1 =	sadd.s32 s2, s1;
	s0 =	sand.u32 $0xFFF8000, s0;
	[tilespmem:v5+s17+$0x0] =	vst.idx.msk $0xffff, v11  }
0x52: {  	s1 =	sadd.s32 s0, s1;
	s10 =	simm.s32 $0xE400;
	[tilespmem:v63+s17+$0x0] =	vst.idx.msk $0xffff, v10  }
0x53: {  	[hbm4b:s1+s3] =	stream.linear.scatter [tilespmem:s10], [sflag:$0x5], $0x80, $0x38;
	[tilespmem:$0x16C00] =	vst v63  }
0x54: {  	s11 =	simm.s32 $0xE488;
	s12 =	sadd.s32 $0x10, s1  }
0x55: {  	[hbm4b:s12+s3] =	stream.linear.scatter [tilespmem:s11], [sflag:$0x5], $0x80, $0x38;
	[tilespmem:$0x16C00] =	vst v63  }
0x56: {  	s13 =	simm.s32 $0xE510;
	s0 =	simm.s32 $0x440;
	s14 =	sadd.s32 $0x20, s1  }
0x57: {  	[hbm4b:s14+s3] =	stream.linear.scatter [tilespmem:s13], [sflag:$0x5], $0x80, $0x38;
	[tilespmem:$0x16C00] =	vst v63  }
0x58: {  	s10 =	simm.s32 $0x2200;
	s11 =	simm.s32 $0xE598;
	s12 =	sadd.s32 $0x30, s1  }
0x59: {  	[hbm4b:s12+s3] =	stream.linear.scatter [tilespmem:s11], [sflag:$0x5], $0x80, $0x38;
	[tilespmem:$0x16C00] =	vst v63  }
0x5a: {  	s13 =	simm.s32 $0xE620;
	s14 =	sadd.s32 $0x40, s1;
	s11 =	simm.s32 $0xE6A8  }
0x5b: {  	[hbm4b:s14+s3] =	stream.linear.scatter [tilespmem:s13], [sflag:$0x5], $0x80, $0x38;
	[tilespmem:$0x16C00] =	vst v63  }
0x5c: {  	s12 =	sadd.s32 $0x50, s1;
	s13 =	simm.s32 $0xE730;
	s14 =	sadd.s32 $0x60, s1  }
0x5d: {  	[hbm4b:s12+s3] =	stream.linear.scatter [tilespmem:s11], [sflag:$0x5], $0x80, $0x38;
	[tilespmem:$0x16C00] =	vst v63  }
0x5e: {  	s11 =	simm.s32 $0xE7B8;
	s12 =	sadd.s32 $0x70, s1;
	s1 =	sadd.s32 $0x1000, s1  }
0x5f: {  	[hbm4b:s14+s3] =	stream.linear.scatter [tilespmem:s13], [sflag:$0x5], $0x80, $0x38;
	[tilespmem:$0x16C00] =	vst v63  }
.LBB2_5:
0x60: {  	[hbm4b:s12+s3] =	stream.linear.scatter [tilespmem:s11], [sflag:$0x5], $0x80, $0x38;
	[tilespmem:$0x16C00] =	vst v63  }
0x61: {  	s11 =	smov.u32 s0;
	s0 =	smov.u32 s10  }
0x62: {  	s13 =	sadd.s32 $0x1100, s10;
	s0 =	sshra.s32 s0, $0x2;
	s12 =	sadd.s32 $0xE400, s11  }
0x63: {  	[hbm4b:s1+s3] =	stream.linear.scatter [tilespmem:s12], [sflag:$0x5], $0x80, $0x38;
	[tilespmem:$0x16C00] =	vst v63  }
0x64: {  	p1 =	sne.s32 s10, $0x7700;
	s10 =	sadd.s32 $0xE488, s11;
	s12 =	sadd.s32 $0x10, s1  }
0x65: {  	[hbm4b:s12+s3] =	stream.linear.scatter [tilespmem:s10], [sflag:$0x5], $0x80, $0x38;
	[tilespmem:$0x16C00] =	vst v63  }
0x66: {  	s10 =	sadd.s32 $0xE510, s11;
	s12 =	sadd.s32 $0x20, s1  }
0x67: {  	[hbm4b:s12+s3] =	stream.linear.scatter [tilespmem:s10], [sflag:$0x5], $0x80, $0x38;
	[tilespmem:$0x16C00] =	vst v63  }
0x68: {  	s10 =	sadd.s32 $0xE598, s11;
	s12 =	sadd.s32 $0x30, s1  }
0x69: {  	[hbm4b:s12+s3] =	stream.linear.scatter [tilespmem:s10], [sflag:$0x5], $0x80, $0x38;
	[tilespmem:$0x16C00] =	vst v63  }
0x6a: {  	s10 =	sadd.s32 $0xE620, s11;
	s12 =	sadd.s32 $0x40, s1  }
0x6b: {  	[hbm4b:s12+s3] =	stream.linear.scatter [tilespmem:s10], [sflag:$0x5], $0x80, $0x38;
	[tilespmem:$0x16C00] =	vst v63  }
.Ltmp3:
0x6c: {  	s10 =	sadd.s32 $0xE6A8, s11;
	s12 =	sadd.s32 $0x50, s1;
	(pc) =	sbr.rel @p1 .LBB2_5-.Ltmp3, $4  }
0x6d: {  	[hbm4b:s12+s3] =	stream.linear.scatter [tilespmem:s10], [sflag:$0x5], $0x80, $0x38;
	[tilespmem:$0x16C00] =	vst v63  }
0x6e: {  	s10 =	sadd.s32 $0xE730, s11;
	s12 =	sadd.s32 $0x60, s1;
	s11 =	sadd.s32 $0xE7B8, s11  }
0x6f: {  	[hbm4b:s12+s3] =	stream.linear.scatter [tilespmem:s10], [sflag:$0x5], $0x80, $0x38;
	[tilespmem:$0x16C00] =	vst v63  }
0x70: {  	s12 =	sadd.s32 $0x70, s1;
	s1 =	sadd.s32 $0x1000, s1;
	s10 =	smov.u32 s13  }
0x71: {  	[hbm4b:s12+s3] =	stream.linear.scatter [tilespmem:s11], [sflag:$0x5], $0x80, $0x38;
	[tilespmem:$0x16C00] =	vst v63  }
0x72: {  	s10 =	sadd.s32 $0xE400, s0  }
0x73: {  	[hbm4b:s1+s3] =	stream.linear.scatter [tilespmem:s10], [sflag:$0x5], $0x80, $0x38;
	[tilespmem:$0x16C00] =	vst v63  }
0x74: {  	s11 =	sadd.s32 $0xE488, s0;
	s12 =	sadd.s32 $0x10, s1  }
0x75: {  	[hbm4b:s12+s3] =	stream.linear.scatter [tilespmem:s11], [sflag:$0x5], $0x80, $0x38;
	[tilespmem:$0x16C00] =	vst v63  }
0x76: {  	s13 =	sadd.s32 $0xE510, s0;
	s14 =	sadd.s32 $0x20, s1  }
0x77: {  	[hbm4b:s14+s3] =	stream.linear.scatter [tilespmem:s13], [sflag:$0x5], $0x80, $0x38;
	[tilespmem:$0x16C00] =	vst v63  }
0x78: {  	s11 =	sadd.s32 $0xE598, s0;
	s12 =	sadd.s32 $0x30, s1  }
0x79: {  	[hbm4b:s12+s3] =	stream.linear.scatter [tilespmem:s11], [sflag:$0x5], $0x80, $0x38;
	[tilespmem:$0x16C00] =	vst v63  }
0x7a: {  	p1 =	seq.s32 s30, $0x31;
	s13 =	sadd.s32 $0xE620, s0;
	s14 =	sadd.s32 $0x40, s1  }
0x7b: {  	[hbm4b:s14+s3] =	stream.linear.scatter [tilespmem:s13], [sflag:$0x5], $0x80, $0x38;
	[tilespmem:$0x16C00] =	vst v63  }
0x7c: {  	s11 =	sadd.s32 $0xE6A8, s0;
	s12 =	sadd.s32 $0x50, s1;
	s13 =	sadd.s32 $0xE730, s0  }
0x7d: {  	[hbm4b:s12+s3] =	stream.linear.scatter [tilespmem:s11], [sflag:$0x5], $0x80, $0x38;
	[tilespmem:$0x16C00] =	vst v63  }
0x7e: {  	s14 =	sadd.s32 $0x60, s1;
	s12 =	sadd.s32 $0xE7B8, s0;
	s0 =	sshll.u32 @!p1 s30, $0x9  }
0x7f: {  	[hbm4b:s14+s3] =	stream.linear.scatter [tilespmem:s13], [sflag:$0x5], $0x80, $0x38;
	[tilespmem:$0x16C00] =	vst v63  }
0x80: {  	s13 =	sadd.s32 $0x70, s1;
	s1 =	sand.u32 @!p1 $0x3FFFFE00, s0  }
0x81: {  	[hbm4b:s13+s3] =	stream.linear.scatter [tilespmem:s12], [sflag:$0x5], $0x80, $0x38;
	[tilespmem:$0x16C00] =	vst v63  }
0x82: {  	s10 =	simm.s32 @!p1 $0x80;
	s11 =	simm.s32 @!p1 $0x6400;
	s0 =	sadd.s32 @!p1 $0x200, s1  }
0x83: {  	[tilespmem:s11], [sflag:$0x1] =	stream.indirect.gather @!p1 [hbm4b:s4+s10], $0x40, s0, s10, $0xb8;
	[tilespmem:$0x16C00] =	vst v63  }
0x84: {  	_ =	swait.ge [sflag:s18], $0x2000  }
0x85: {  	[sflag:s18] =	ssyncset.done $0x0  }
0x86: {  	s0 =	simm.s32 @!p0 $0x6;
	[sflag:s18] =	ssyncadd.s32 $0xFFFFE000  }
0x87: {  	s14 =	simm.s32 $0x0;
	_ =	swait.ge @!p0 [sflag:s0], $0x2000  }
0x88: {  	v4 =	vmov s14;
	[sflag:s0] =	ssyncset.done @!p0 $0x0  }
0x89: {  	s12 =	simm.s32 $0x8420;
	v8 =	vand.u32 $0x7F, v4;
	[sflag:s0] =	ssyncadd.s32 @!p0 $0xFFFFE000  }
0x8a: {  	v6 =	vadd.s32 v0, v8;
	v5 =	vld [tilespmem:s12+$0xFFFFFFE0];
	_ =	sdelay $0x1  }
0x8b: {  	s11 =	simm.s32 $0x1  }
0x8c: {  	v4 =	vmov s11  }
0x8d: {  	v4 =	vand.u32 $0x7F, v4;
	s0 =	simm.s32 $0x8460  }
0x8e: {  	v7 =	vadd.s32 v0, v4;
	[tilespmem:v6+s19+$0x0] =	vst.idx.msk $0xffff, v5;
	v6 =	vld [tilespmem:s0+$0xFFFFFFE0]  }
0x8f: {  	v10 =	vadd.s32 v1, v8;
	v9 =	vld [tilespmem:s12+$0xFFFFFFF0]  }
0x90: {  	s13 =	simm.s32 $0x2  }
0x91: {  	v5 =	vmov s13  }
0x92: {  	s10 =	simm.s32 $0x84A0;
	v5 =	vand.u32 $0x7F, v5  }
0x93: {  	[tilespmem:v7+s19+$0x0] =	vst.idx.msk $0xffff, v6;
	v6 =	vld [tilespmem:s10+$0xFFFFFFE0];
	v7 =	vadd.s32 v0, v5  }
0x94: {  	v11 =	vadd.s32 v1, v4;
	[tilespmem:v10+s19+$0x0] =	vst.idx.msk $0xffff, v9;
	v9 =	vld [tilespmem:s0+$0xFFFFFFF0]  }
0x95: {  	v14 =	vadd.s32 v2, v8;
	v12 =	vld [tilespmem:s12+$0x0]  }
0x96: {  	s14 =	simm.s32 $0x3  }
0x97: {  	v13 =	vmov s14  }
0x98: {  	s13 =	simm.s32 $0x84E0;
	[tilespmem:v7+s19+$0x0] =	vst.idx.msk $0xffff, v6;
	v6 =	vand.u32 $0x7F, v13  }
0x99: {  	v10 =	vld [tilespmem:s13+$0xFFFFFFE0];
	[tilespmem:v11+s19+$0x0] =	vst.idx.msk $0xffff, v9;
	v13 =	vadd.s32 v0, v6  }
0x9a: {  	v11 =	vld [tilespmem:s10+$0xFFFFFFF0];
	[tilespmem:v14+s19+$0x0] =	vst.idx.msk $0xffff, v12;
	v14 =	vadd.s32 v1, v5  }
0x9b: {  	v9 =	vld [tilespmem:s0+$0x0];
	v12 =	vadd.s32 v2, v4  }
0x9c: {  	s14 =	simm.s32 $0x4;
	v8 =	vadd.s32 v3, v8;
	s11 =	sor.u32 $0x1, s31;
	v7 =	vld [tilespmem:s12+$0x10];
	s12 =	simm.s32 $0x84E0  }
.LBB2_7:
0x9d: {  	v15 =	vmov s14;
	p2 =	sne.s32 s14, $0x7F  }
.Ltmp4:
0x9e: {  	s13 =	sadd.s32 $0x40, s13;
	v15 =	vand.u32 $0x7F, v15;
	[tilespmem:v13+s19+$0x0] =	vst.idx.msk $0xffff, v10;
	(pc) =	sbr.rel @p2 .LBB2_7-.Ltmp4, $4  }
0x9f: {  	v10 =	vld [tilespmem:s13+$0xFFFFFFE0];
	v13 =	vadd.s32 v0, v15;
	[tilespmem:v14+s19+$0x0] =	vst.idx.msk $0xffff, v11  }
0xa0: {  	s14 =	sadd.s32 $0x1, s14;
	v14 =	vadd.s32 v1, v6;
	v11 =	vld [tilespmem:s12+$0xFFFFFFF0];
	[tilespmem:v12+s19+$0x0] =	vst.idx.msk $0xffff, v9  }
0xa1: {  	v12 =	vadd.s32 v2, v5;
	v9 =	vld [tilespmem:s10+$0x0];
	[tilespmem:v8+s19+$0x0] =	vst.idx.msk $0xffff, v7  }
0xa2: {  	v8 =	vadd.s32 v3, v4;
	v4 =	vmovc v5;
	v5 =	vmov v6;
	v6 =	vmov v15;
	v7 =	vld [tilespmem:s0+$0x10];
	s0 =	smov.u32 s10;
	s10 =	smov.u32 s12;
	s12 =	smov.u32 s13  }
0xa3: {  	_ =	sdelay $0x3  }
0xa4: {  	[tilespmem:v13+s19+$0x0] =	vst.idx.msk $0xffff, v10  }
0xa5: {  	v60 =	vadd.s32 v1, v6;
	v10 =	vld [tilespmem:s12+$0xFFFFFFF0];
	_ =	sdelay $0x3  }
0xa6: {  	[tilespmem:v14+s19+$0x0] =	vst.idx.msk $0xffff, v11  }
0xa7: {  	v61 =	vadd.s32 v2, v5;
	v11 =	vld [tilespmem:s10+$0x0];
	[tilespmem:v60+s19+$0x0] =	vst.idx.msk $0xffff, v10  }
0xa8: {  	v62 =	vadd.s32 v2, v6;
	v10 =	vld [tilespmem:s12+$0x0];
	_ =	sdelay $0x2  }
0xa9: {  	[tilespmem:v12+s19+$0x0] =	vst.idx.msk $0xffff, v9  }
0xaa: {  	v4 =	vadd.s32 v3, v4;
	v9 =	vld [tilespmem:s0+$0x10];
	[tilespmem:v61+s19+$0x0] =	vst.idx.msk $0xffff, v11  }
0xab: {  	v5 =	vadd.s32 v3, v5;
	v11 =	vld [tilespmem:s10+$0x10];
	[tilespmem:v62+s19+$0x0] =	vst.idx.msk $0xffff, v10  }
0xac: {  	v63 =	vadd.s32 v3, v6;
	v10 =	vld [tilespmem:s12+$0x10]  }
0xad: {  	s12 =	sadd.s32 s5, s11  }
0xae: {  	[tilespmem:v8+s19+$0x0] =	vst.idx.msk $0xffff, v7;
	s13 =	sshll.u32 s12, $0x7  }
0xaf: {  	[tilespmem:v4+s19+$0x0] =	vst.idx.msk $0xffff, v9;
	s0 =	sshll.u32 s12, $0xA;
	s10 =	sand.u32 $0xE80, s13  }
0xb0: {  	[tilespmem:v5+s19+$0x0] =	vst.idx.msk $0xffff, v11;
	s0 =	sand.u32 $0xFFF8000, s0;
	s10 =	sadd.s32 s2, s10  }
0xb1: {  	s14 =	simm.s32 $0x10600;
	s10 =	sadd.s32 s0, s10;
	[tilespmem:v63+s19+$0x0] =	vst.idx.msk $0xffff, v10  }
0xb2: {  	[hbm4b:s10+s3] =	stream.linear.scatter [tilespmem:s14], [sflag:$0x6], $0x80, $0x38;
	[tilespmem:$0x16C00] =	vst v63  }
0xb3: {  	s11 =	simm.s32 $0x10688;
	s12 =	sadd.s32 $0x10, s10  }
0xb4: {  	[hbm4b:s12+s3] =	stream.linear.scatter [tilespmem:s11], [sflag:$0x6], $0x80, $0x38;
	[tilespmem:$0x16C00] =	vst v63  }
0xb5: {  	s13 =	simm.s32 $0x10710;
	s14 =	sadd.s32 $0x20, s10  }
0xb6: {  	[hbm4b:s14+s3] =	stream.linear.scatter [tilespmem:s13], [sflag:$0x6], $0x80, $0x38;
	[tilespmem:$0x16C00] =	vst v63  }
0xb7: {  	s11 =	simm.s32 $0x10798;
	s12 =	sadd.s32 $0x30, s10  }
0xb8: {  	[hbm4b:s12+s3] =	stream.linear.scatter [tilespmem:s11], [sflag:$0x6], $0x80, $0x38;
	[tilespmem:$0x16C00] =	vst v63  }
0xb9: {  	s13 =	simm.s32 $0x10820;
	s14 =	sadd.s32 $0x40, s10  }
0xba: {  	[hbm4b:s14+s3] =	stream.linear.scatter [tilespmem:s13], [sflag:$0x6], $0x80, $0x38;
	[tilespmem:$0x16C00] =	vst v63  }
0xbb: {  	s0 =	simm.s32 $0x440;
	s11 =	simm.s32 $0x108A8;
	s12 =	sadd.s32 $0x50, s10  }
0xbc: {  	[hbm4b:s12+s3] =	stream.linear.scatter [tilespmem:s11], [sflag:$0x6], $0x80, $0x38;
	[tilespmem:$0x16C00] =	vst v63  }
0xbd: {  	s13 =	simm.s32 $0x10930;
	s14 =	sadd.s32 $0x60, s10;
	s11 =	simm.s32 $0x2200  }
0xbe: {  	[hbm4b:s14+s3] =	stream.linear.scatter [tilespmem:s13], [sflag:$0x6], $0x80, $0x38;
	[tilespmem:$0x16C00] =	vst v63  }
0xbf: {  	s12 =	simm.s32 $0x109B8;
	s13 =	sadd.s32 $0x70, s10;
	s10 =	sadd.s32 $0x1000, s10  }
.LBB2_9:
0xc0: {  	[hbm4b:s13+s3] =	stream.linear.scatter [tilespmem:s12], [sflag:$0x6], $0x80, $0x38;
	[tilespmem:$0x16C00] =	vst v63  }
0xc1: {  	s12 =	smov.u32 s0;
	s0 =	smov.u32 s11  }
0xc2: {  	s14 =	sadd.s32 $0x1100, s11;
	s0 =	sshra.s32 s0, $0x2;
	s13 =	sadd.s32 $0x10600, s12  }
0xc3: {  	[hbm4b:s10+s3] =	stream.linear.scatter [tilespmem:s13], [sflag:$0x6], $0x80, $0x38;
	[tilespmem:$0x16C00] =	vst v63  }
0xc4: {  	p2 =	sne.s32 s11, $0x7700;
	s11 =	sadd.s32 $0x10688, s12;
	s13 =	sadd.s32 $0x10, s10  }
0xc5: {  	[hbm4b:s13+s3] =	stream.linear.scatter [tilespmem:s11], [sflag:$0x6], $0x80, $0x38;
	[tilespmem:$0x16C00] =	vst v63  }
0xc6: {  	s11 =	sadd.s32 $0x10710, s12;
	s13 =	sadd.s32 $0x20, s10  }
0xc7: {  	[hbm4b:s13+s3] =	stream.linear.scatter [tilespmem:s11], [sflag:$0x6], $0x80, $0x38;
	[tilespmem:$0x16C00] =	vst v63  }
0xc8: {  	s11 =	sadd.s32 $0x10798, s12;
	s13 =	sadd.s32 $0x30, s10  }
0xc9: {  	[hbm4b:s13+s3] =	stream.linear.scatter [tilespmem:s11], [sflag:$0x6], $0x80, $0x38;
	[tilespmem:$0x16C00] =	vst v63  }
0xca: {  	s11 =	sadd.s32 $0x10820, s12;
	s13 =	sadd.s32 $0x40, s10  }
0xcb: {  	[hbm4b:s13+s3] =	stream.linear.scatter [tilespmem:s11], [sflag:$0x6], $0x80, $0x38;
	[tilespmem:$0x16C00] =	vst v63  }
.Ltmp5:
0xcc: {  	s11 =	sadd.s32 $0x108A8, s12;
	s13 =	sadd.s32 $0x50, s10;
	(pc) =	sbr.rel @p2 .LBB2_9-.Ltmp5, $4  }
0xcd: {  	[hbm4b:s13+s3] =	stream.linear.scatter [tilespmem:s11], [sflag:$0x6], $0x80, $0x38;
	[tilespmem:$0x16C00] =	vst v63  }
0xce: {  	s11 =	sadd.s32 $0x10930, s12;
	s13 =	sadd.s32 $0x60, s10;
	s12 =	sadd.s32 $0x109B8, s12  }
0xcf: {  	[hbm4b:s13+s3] =	stream.linear.scatter [tilespmem:s11], [sflag:$0x6], $0x80, $0x38;
	[tilespmem:$0x16C00] =	vst v63  }
0xd0: {  	s13 =	sadd.s32 $0x70, s10;
	s10 =	sadd.s32 $0x1000, s10;
	s11 =	smov.u32 s14  }
0xd1: {  	[hbm4b:s13+s3] =	stream.linear.scatter [tilespmem:s12], [sflag:$0x6], $0x80, $0x38;
	[tilespmem:$0x16C00] =	vst v63  }
0xd2: {  	s11 =	sadd.s32 $0x10600, s0  }
0xd3: {  	[hbm4b:s10+s3] =	stream.linear.scatter [tilespmem:s11], [sflag:$0x6], $0x80, $0x38;
	[tilespmem:$0x16C00] =	vst v63  }
0xd4: {  	s13 =	sadd.s32 $0x10688, s0;
	s14 =	sadd.s32 $0x10, s10  }
0xd5: {  	[hbm4b:s14+s3] =	stream.linear.scatter [tilespmem:s13], [sflag:$0x6], $0x80, $0x38;
	[tilespmem:$0x16C00] =	vst v63  }
0xd6: {  	s13 =	sadd.s32 $0x10710, s0;
	s14 =	sadd.s32 $0x20, s10  }
0xd7: {  	[hbm4b:s14+s3] =	stream.linear.scatter [tilespmem:s13], [sflag:$0x6], $0x80, $0x38;
	[tilespmem:$0x16C00] =	vst v63  }
0xd8: {  	s13 =	sadd.s32 $0x10798, s0;
	s14 =	sadd.s32 $0x30, s10  }
0xd9: {  	[hbm4b:s14+s3] =	stream.linear.scatter [tilespmem:s13], [sflag:$0x6], $0x80, $0x38;
	[tilespmem:$0x16C00] =	vst v63  }
0xda: {  	s13 =	sadd.s32 $0x10820, s0;
	s14 =	sadd.s32 $0x40, s10  }
0xdb: {  	[hbm4b:s14+s3] =	stream.linear.scatter [tilespmem:s13], [sflag:$0x6], $0x80, $0x38;
	[tilespmem:$0x16C00] =	vst v63  }
0xdc: {  	s13 =	sadd.s32 $0x108A8, s0;
	s14 =	sadd.s32 $0x50, s10  }
0xdd: {  	[hbm4b:s14+s3] =	stream.linear.scatter [tilespmem:s13], [sflag:$0x6], $0x80, $0x38;
	[tilespmem:$0x16C00] =	vst v63  }
0xde: {  	s13 =	sadd.s32 $0x10930, s0;
	s14 =	sadd.s32 $0x60, s10  }
0xdf: {  	[hbm4b:s14+s3] =	stream.linear.scatter [tilespmem:s13], [sflag:$0x6], $0x80, $0x38;
	[tilespmem:$0x16C00] =	vst v63  }
0xe0: {  	s12 =	sadd.s32 $0x109B8, s0;
	s13 =	sadd.s32 $0x70, s10  }
0xe1: {  	[hbm4b:s13+s3] =	stream.linear.scatter [tilespmem:s12], [sflag:$0x6], $0x80, $0x38;
	[tilespmem:$0x16C00] =	vst v63  }
0xe2: {  	s11 =	simm.s32 @!p1 $0x8400;
	s0 =	sadd.s32 @!p1 $0x280, s1;
	s10 =	simm.s32 @!p1 $0x80  }
0xe3: {  	[tilespmem:s11], [sflag:$0x2] =	stream.indirect.gather @!p1 [hbm4b:s4+s10], $0x40, s0, s10, $0xb8;
	[tilespmem:$0x16C00] =	vst v63  }
0xe4: {  	_ =	swait.ge [sflag:s20], $0x2000  }
0xe5: {  	[sflag:s20] =	ssyncset.done $0x0  }
0xe6: {  	s0 =	simm.s32 @!p0 $0x7;
	[sflag:s20] =	ssyncadd.s32 $0xFFFFE000  }
0xe7: {  	s14 =	simm.s32 $0x0;
	_ =	swait.ge @!p0 [sflag:s0], $0x2000  }
0xe8: {  	v4 =	vmov s14;
	[sflag:s0] =	ssyncset.done @!p0 $0x0  }
0xe9: {  	s12 =	simm.s32 $0xA420;
	v8 =	vand.u32 $0x7F, v4;
	[sflag:s0] =	ssyncadd.s32 @!p0 $0xFFFFE000  }
0xea: {  	v6 =	vadd.s32 v0, v8;
	v5 =	vld [tilespmem:s12+$0xFFFFFFE0];
	_ =	sdelay $0x1  }
0xeb: {  	s11 =	simm.s32 $0x1  }
0xec: {  	v4 =	vmov s11  }
0xed: {  	v4 =	vand.u32 $0x7F, v4;
	s0 =	simm.s32 $0xA460  }
0xee: {  	v7 =	vadd.s32 v0, v4;
	[tilespmem:v6+s21+$0x0] =	vst.idx.msk $0xffff, v5;
	v6 =	vld [tilespmem:s0+$0xFFFFFFE0]  }
0xef: {  	v10 =	vadd.s32 v1, v8;
	v9 =	vld [tilespmem:s12+$0xFFFFFFF0]  }
0xf0: {  	s13 =	simm.s32 $0x2  }
0xf1: {  	v5 =	vmov s13  }
0xf2: {  	s10 =	simm.s32 $0xA4A0;
	v5 =	vand.u32 $0x7F, v5  }
0xf3: {  	[tilespmem:v7+s21+$0x0] =	vst.idx.msk $0xffff, v6;
	v6 =	vld [tilespmem:s10+$0xFFFFFFE0];
	v7 =	vadd.s32 v0, v5  }
0xf4: {  	v11 =	vadd.s32 v1, v4;
	[tilespmem:v10+s21+$0x0] =	vst.idx.msk $0xffff, v9;
	v9 =	vld [tilespmem:s0+$0xFFFFFFF0]  }
0xf5: {  	v14 =	vadd.s32 v2, v8;
	v12 =	vld [tilespmem:s12+$0x0]  }
0xf6: {  	s14 =	simm.s32 $0x3  }
0xf7: {  	v13 =	vmov s14  }
0xf8: {  	s13 =	simm.s32 $0xA4E0;
	[tilespmem:v7+s21+$0x0] =	vst.idx.msk $0xffff, v6;
	v6 =	vand.u32 $0x7F, v13  }
0xf9: {  	v10 =	vld [tilespmem:s13+$0xFFFFFFE0];
	[tilespmem:v11+s21+$0x0] =	vst.idx.msk $0xffff, v9;
	v13 =	vadd.s32 v0, v6  }
0xfa: {  	v11 =	vld [tilespmem:s10+$0xFFFFFFF0];
	[tilespmem:v14+s21+$0x0] =	vst.idx.msk $0xffff, v12;
	v14 =	vadd.s32 v1, v5  }
0xfb: {  	v9 =	vld [tilespmem:s0+$0x0];
	v12 =	vadd.s32 v2, v4  }
0xfc: {  	s14 =	simm.s32 $0x4;
	v8 =	vadd.s32 v3, v8;
	s11 =	sor.u32 $0x2, s31;
	v7 =	vld [tilespmem:s12+$0x10];
	s12 =	simm.s32 $0xA4E0  }
.LBB2_11:
0xfd: {  	v15 =	vmov s14;
	p2 =	sne.s32 s14, $0x7F  }
.Ltmp6:
0xfe: {  	s13 =	sadd.s32 $0x40, s13;
	v15 =	vand.u32 $0x7F, v15;
	[tilespmem:v13+s21+$0x0] =	vst.idx.msk $0xffff, v10;
	(pc) =	sbr.rel @p2 .LBB2_11-.Ltmp6, $4  }
0xff: {  	v10 =	vld [tilespmem:s13+$0xFFFFFFE0];
	v13 =	vadd.s32 v0, v15;
	[tilespmem:v14+s21+$0x0] =	vst.idx.msk $0xffff, v11  }
0x100: {  	s14 =	sadd.s32 $0x1, s14;
	v14 =	vadd.s32 v1, v6;
	v11 =	vld [tilespmem:s12+$0xFFFFFFF0];
	[tilespmem:v12+s21+$0x0] =	vst.idx.msk $0xffff, v9  }
0x101: {  	v12 =	vadd.s32 v2, v5;
	v9 =	vld [tilespmem:s10+$0x0];
	[tilespmem:v8+s21+$0x0] =	vst.idx.msk $0xffff, v7  }
0x102: {  	v8 =	vadd.s32 v3, v4;
	v4 =	vmovc v5;
	v5 =	vmov v6;
	v6 =	vmov v15;
	v7 =	vld [tilespmem:s0+$0x10];
	s0 =	smov.u32 s10;
	s10 =	smov.u32 s12;
	s12 =	smov.u32 s13  }
0x103: {  	_ =	sdelay $0x3  }
0x104: {  	[tilespmem:v13+s21+$0x0] =	vst.idx.msk $0xffff, v10  }
0x105: {  	v60 =	vadd.s32 v1, v6;
	v10 =	vld [tilespmem:s12+$0xFFFFFFF0];
	_ =	sdelay $0x3  }
0x106: {  	[tilespmem:v14+s21+$0x0] =	vst.idx.msk $0xffff, v11  }
0x107: {  	v61 =	vadd.s32 v2, v5;
	v11 =	vld [tilespmem:s10+$0x0];
	[tilespmem:v60+s21+$0x0] =	vst.idx.msk $0xffff, v10  }
0x108: {  	v62 =	vadd.s32 v2, v6;
	v10 =	vld [tilespmem:s12+$0x0];
	_ =	sdelay $0x2  }
0x109: {  	[tilespmem:v12+s21+$0x0] =	vst.idx.msk $0xffff, v9  }
0x10a: {  	v4 =	vadd.s32 v3, v4;
	v9 =	vld [tilespmem:s0+$0x10];
	[tilespmem:v61+s21+$0x0] =	vst.idx.msk $0xffff, v11  }
0x10b: {  	v5 =	vadd.s32 v3, v5;
	v11 =	vld [tilespmem:s10+$0x10];
	[tilespmem:v62+s21+$0x0] =	vst.idx.msk $0xffff, v10  }
0x10c: {  	v63 =	vadd.s32 v3, v6;
	v10 =	vld [tilespmem:s12+$0x10]  }
0x10d: {  	s12 =	sadd.s32 s5, s11  }
0x10e: {  	[tilespmem:v8+s21+$0x0] =	vst.idx.msk $0xffff, v7;
	s13 =	sshll.u32 s12, $0x7  }
0x10f: {  	[tilespmem:v4+s21+$0x0] =	vst.idx.msk $0xffff, v9;
	s0 =	sshll.u32 s12, $0xA;
	s10 =	sand.u32 $0xF00, s13  }
0x110: {  	[tilespmem:v5+s21+$0x0] =	vst.idx.msk $0xffff, v11;
	s0 =	sand.u32 $0xFFF8000, s0;
	s10 =	sadd.s32 s2, s10  }
0x111: {  	s14 =	simm.s32 $0x12800;
	s10 =	sadd.s32 s0, s10;
	[tilespmem:v63+s21+$0x0] =	vst.idx.msk $0xffff, v10  }
0x112: {  	[hbm4b:s10+s3] =	stream.linear.scatter [tilespmem:s14], [sflag:$0x7], $0x80, $0x38;
	[tilespmem:$0x16C00] =	vst v63  }
0x113: {  	s11 =	simm.s32 $0x12888;
	s12 =	sadd.s32 $0x10, s10  }
0x114: {  	[hbm4b:s12+s3] =	stream.linear.scatter [tilespmem:s11], [sflag:$0x7], $0x80, $0x38;
	[tilespmem:$0x16C00] =	vst v63  }
0x115: {  	s13 =	simm.s32 $0x12910;
	s14 =	sadd.s32 $0x20, s10  }
0x116: {  	[hbm4b:s14+s3] =	stream.linear.scatter [tilespmem:s13], [sflag:$0x7], $0x80, $0x38;
	[tilespmem:$0x16C00] =	vst v63  }
0x117: {  	s11 =	simm.s32 $0x12998;
	s12 =	sadd.s32 $0x30, s10  }
0x118: {  	[hbm4b:s12+s3] =	stream.linear.scatter [tilespmem:s11], [sflag:$0x7], $0x80, $0x38;
	[tilespmem:$0x16C00] =	vst v63  }
0x119: {  	s13 =	simm.s32 $0x12A20;
	s14 =	sadd.s32 $0x40, s10  }
0x11a: {  	[hbm4b:s14+s3] =	stream.linear.scatter [tilespmem:s13], [sflag:$0x7], $0x80, $0x38;
	[tilespmem:$0x16C00] =	vst v63  }
0x11b: {  	s0 =	simm.s32 $0x440;
	s11 =	simm.s32 $0x12AA8;
	s12 =	sadd.s32 $0x50, s10  }
0x11c: {  	[hbm4b:s12+s3] =	stream.linear.scatter [tilespmem:s11], [sflag:$0x7], $0x80, $0x38;
	[tilespmem:$0x16C00] =	vst v63  }
0x11d: {  	s13 =	simm.s32 $0x12B30;
	s14 =	sadd.s32 $0x60, s10;
	s11 =	simm.s32 $0x2200  }
0x11e: {  	[hbm4b:s14+s3] =	stream.linear.scatter [tilespmem:s13], [sflag:$0x7], $0x80, $0x38;
	[tilespmem:$0x16C00] =	vst v63  }
0x11f: {  	s12 =	simm.s32 $0x12BB8;
	s13 =	sadd.s32 $0x70, s10;
	s10 =	sadd.s32 $0x1000, s10  }
.LBB2_13:
0x120: {  	[hbm4b:s13+s3] =	stream.linear.scatter [tilespmem:s12], [sflag:$0x7], $0x80, $0x38;
	[tilespmem:$0x16C00] =	vst v63  }
0x121: {  	s12 =	smov.u32 s0;
	s0 =	smov.u32 s11  }
0x122: {  	s14 =	sadd.s32 $0x1100, s11;
	s0 =	sshra.s32 s0, $0x2;
	s13 =	sadd.s32 $0x12800, s12  }
0x123: {  	[hbm4b:s10+s3] =	stream.linear.scatter [tilespmem:s13], [sflag:$0x7], $0x80, $0x38;
	[tilespmem:$0x16C00] =	vst v63  }
0x124: {  	p2 =	sne.s32 s11, $0x7700;
	s11 =	sadd.s32 $0x12888, s12;
	s13 =	sadd.s32 $0x10, s10  }
0x125: {  	[hbm4b:s13+s3] =	stream.linear.scatter [tilespmem:s11], [sflag:$0x7], $0x80, $0x38;
	[tilespmem:$0x16C00] =	vst v63  }
0x126: {  	s11 =	sadd.s32 $0x12910, s12;
	s13 =	sadd.s32 $0x20, s10  }
0x127: {  	[hbm4b:s13+s3] =	stream.linear.scatter [tilespmem:s11], [sflag:$0x7], $0x80, $0x38;
	[tilespmem:$0x16C00] =	vst v63  }
0x128: {  	s11 =	sadd.s32 $0x12998, s12;
	s13 =	sadd.s32 $0x30, s10  }
0x129: {  	[hbm4b:s13+s3] =	stream.linear.scatter [tilespmem:s11], [sflag:$0x7], $0x80, $0x38;
	[tilespmem:$0x16C00] =	vst v63  }
0x12a: {  	s11 =	sadd.s32 $0x12A20, s12;
	s13 =	sadd.s32 $0x40, s10  }
0x12b: {  	[hbm4b:s13+s3] =	stream.linear.scatter [tilespmem:s11], [sflag:$0x7], $0x80, $0x38;
	[tilespmem:$0x16C00] =	vst v63  }
.Ltmp7:
0x12c: {  	s11 =	sadd.s32 $0x12AA8, s12;
	s13 =	sadd.s32 $0x50, s10;
	(pc) =	sbr.rel @p2 .LBB2_13-.Ltmp7, $4  }
0x12d: {  	[hbm4b:s13+s3] =	stream.linear.scatter [tilespmem:s11], [sflag:$0x7], $0x80, $0x38;
	[tilespmem:$0x16C00] =	vst v63  }
0x12e: {  	s11 =	sadd.s32 $0x12B30, s12;
	s13 =	sadd.s32 $0x60, s10;
	s12 =	sadd.s32 $0x12BB8, s12  }
0x12f: {  	[hbm4b:s13+s3] =	stream.linear.scatter [tilespmem:s11], [sflag:$0x7], $0x80, $0x38;
	[tilespmem:$0x16C00] =	vst v63  }
0x130: {  	s13 =	sadd.s32 $0x70, s10;
	s10 =	sadd.s32 $0x1000, s10;
	s11 =	smov.u32 s14  }
0x131: {  	[hbm4b:s13+s3] =	stream.linear.scatter [tilespmem:s12], [sflag:$0x7], $0x80, $0x38;
	[tilespmem:$0x16C00] =	vst v63  }
0x132: {  	s11 =	sadd.s32 $0x12800, s0  }
0x133: {  	[hbm4b:s10+s3] =	stream.linear.scatter [tilespmem:s11], [sflag:$0x7], $0x80, $0x38;
	[tilespmem:$0x16C00] =	vst v63  }
0x134: {  	s13 =	sadd.s32 $0x12888, s0;
	s14 =	sadd.s32 $0x10, s10  }
0x135: {  	[hbm4b:s14+s3] =	stream.linear.scatter [tilespmem:s13], [sflag:$0x7], $0x80, $0x38;
	[tilespmem:$0x16C00] =	vst v63  }
0x136: {  	s13 =	sadd.s32 $0x12910, s0;
	s14 =	sadd.s32 $0x20, s10  }
0x137: {  	[hbm4b:s14+s3] =	stream.linear.scatter [tilespmem:s13], [sflag:$0x7], $0x80, $0x38;
	[tilespmem:$0x16C00] =	vst v63  }
0x138: {  	s13 =	sadd.s32 $0x12998, s0;
	s14 =	sadd.s32 $0x30, s10  }
0x139: {  	[hbm4b:s14+s3] =	stream.linear.scatter [tilespmem:s13], [sflag:$0x7], $0x80, $0x38;
	[tilespmem:$0x16C00] =	vst v63  }
0x13a: {  	s13 =	sadd.s32 $0x12A20, s0;
	s14 =	sadd.s32 $0x40, s10  }
0x13b: {  	[hbm4b:s14+s3] =	stream.linear.scatter [tilespmem:s13], [sflag:$0x7], $0x80, $0x38;
	[tilespmem:$0x16C00] =	vst v63  }
0x13c: {  	s13 =	sadd.s32 $0x12AA8, s0;
	s14 =	sadd.s32 $0x50, s10  }
0x13d: {  	[hbm4b:s14+s3] =	stream.linear.scatter [tilespmem:s13], [sflag:$0x7], $0x80, $0x38;
	[tilespmem:$0x16C00] =	vst v63  }
0x13e: {  	s13 =	sadd.s32 $0x12B30, s0;
	s14 =	sadd.s32 $0x60, s10  }
0x13f: {  	[hbm4b:s14+s3] =	stream.linear.scatter [tilespmem:s13], [sflag:$0x7], $0x80, $0x38;
	[tilespmem:$0x16C00] =	vst v63  }
0x140: {  	s13 =	sadd.s32 $0x12BB8, s0;
	s14 =	sadd.s32 $0x70, s10  }
0x141: {  	[hbm4b:s14+s3] =	stream.linear.scatter [tilespmem:s13], [sflag:$0x7], $0x80, $0x38;
	[tilespmem:$0x16C00] =	vst v63  }
0x142: {  	s0 =	sadd.s32 @!p1 $0x300, s1;
	s1 =	simm.s32 @!p1 $0x80;
	s10 =	simm.s32 @!p1 $0xA400  }
0x143: {  	[tilespmem:s10], [sflag:$0x3] =	stream.indirect.gather @!p1 [hbm4b:s4+s1], $0x40, s0, s1, $0xb8;
	[tilespmem:$0x16C00] =	vst v63  }
0x144: {  	_ =	swait.ge [sflag:s22], $0x2000  }
0x145: {  	[sflag:s22] =	ssyncset.done $0x0  }
0x146: {  	s0 =	simm.s32 @!p0 $0x8;
	[sflag:s22] =	ssyncadd.s32 $0xFFFFE000  }
0x147: {  	s11 =	simm.s32 $0x0;
	_ =	swait.ge @!p0 [sflag:s0], $0x2000  }
0x148: {  	v4 =	vmov s11;
	[sflag:s0] =	ssyncset.done @!p0 $0x0  }
0x149: {  	s11 =	simm.s32 $0xC420;
	v8 =	vand.u32 $0x7F, v4;
	[sflag:s0] =	ssyncadd.s32 @!p0 $0xFFFFE000  }
0x14a: {  	v6 =	vadd.s32 v0, v8;
	v5 =	vld [tilespmem:s11+$0xFFFFFFE0];
	_ =	sdelay $0x1  }
0x14b: {  	s12 =	simm.s32 $0x1  }
0x14c: {  	v4 =	vmov s12  }
0x14d: {  	v4 =	vand.u32 $0x7F, v4;
	s0 =	simm.s32 $0xC460  }
0x14e: {  	v7 =	vadd.s32 v0, v4;
	[tilespmem:v6+s23+$0x0] =	vst.idx.msk $0xffff, v5;
	v6 =	vld [tilespmem:s0+$0xFFFFFFE0]  }
0x14f: {  	v10 =	vadd.s32 v1, v8;
	v9 =	vld [tilespmem:s11+$0xFFFFFFF0]  }
0x150: {  	s13 =	simm.s32 $0x2  }
0x151: {  	v5 =	vmov s13  }
0x152: {  	s1 =	simm.s32 $0xC4A0;
	v5 =	vand.u32 $0x7F, v5  }
0x153: {  	[tilespmem:v7+s23+$0x0] =	vst.idx.msk $0xffff, v6;
	v6 =	vld [tilespmem:s1+$0xFFFFFFE0];
	v7 =	vadd.s32 v0, v5  }
0x154: {  	v11 =	vadd.s32 v1, v4;
	[tilespmem:v10+s23+$0x0] =	vst.idx.msk $0xffff, v9;
	v9 =	vld [tilespmem:s0+$0xFFFFFFF0]  }
0x155: {  	v14 =	vadd.s32 v2, v8;
	v12 =	vld [tilespmem:s11+$0x0]  }
0x156: {  	s14 =	simm.s32 $0x3  }
0x157: {  	v13 =	vmov s14  }
0x158: {  	s12 =	simm.s32 $0xC4E0;
	[tilespmem:v7+s23+$0x0] =	vst.idx.msk $0xffff, v6;
	v6 =	vand.u32 $0x7F, v13  }
0x159: {  	v10 =	vld [tilespmem:s12+$0xFFFFFFE0];
	[tilespmem:v11+s23+$0x0] =	vst.idx.msk $0xffff, v9;
	v13 =	vadd.s32 v0, v6  }
0x15a: {  	v11 =	vld [tilespmem:s1+$0xFFFFFFF0];
	[tilespmem:v14+s23+$0x0] =	vst.idx.msk $0xffff, v12;
	v14 =	vadd.s32 v1, v5  }
0x15b: {  	v9 =	vld [tilespmem:s0+$0x0];
	v12 =	vadd.s32 v2, v4  }
0x15c: {  	v8 =	vadd.s32 v3, v8;
	s10 =	sor.u32 $0x3, s31;
	s13 =	simm.s32 $0x4;
	v7 =	vld [tilespmem:s11+$0x10];
	s11 =	simm.s32 $0xC4E0  }
.LBB2_15:
0x15d: {  	v15 =	vmov s13;
	p0 =	sne.s32 s13, $0x7F  }
.Ltmp8:
0x15e: {  	s12 =	sadd.s32 $0x40, s12;
	v15 =	vand.u32 $0x7F, v15;
	[tilespmem:v13+s23+$0x0] =	vst.idx.msk $0xffff, v10;
	(pc) =	sbr.rel @p0 .LBB2_15-.Ltmp8, $4  }
0x15f: {  	v10 =	vld [tilespmem:s12+$0xFFFFFFE0];
	v13 =	vadd.s32 v0, v15;
	[tilespmem:v14+s23+$0x0] =	vst.idx.msk $0xffff, v11  }
0x160: {  	s13 =	sadd.s32 $0x1, s13;
	v14 =	vadd.s32 v1, v6;
	v11 =	vld [tilespmem:s11+$0xFFFFFFF0];
	[tilespmem:v12+s23+$0x0] =	vst.idx.msk $0xffff, v9  }
0x161: {  	v12 =	vadd.s32 v2, v5;
	v9 =	vld [tilespmem:s1+$0x0];
	[tilespmem:v8+s23+$0x0] =	vst.idx.msk $0xffff, v7  }
0x162: {  	v8 =	vadd.s32 v3, v4;
	v4 =	vmovc v5;
	v5 =	vmov v6;
	v6 =	vmov v15;
	v7 =	vld [tilespmem:s0+$0x10];
	s0 =	smov.u32 s1;
	s1 =	smov.u32 s11;
	s11 =	smov.u32 s12  }
0x163: {  	_ =	sdelay $0x3  }
0x164: {  	[tilespmem:v13+s23+$0x0] =	vst.idx.msk $0xffff, v10  }
0x165: {  	v60 =	vadd.s32 v1, v6;
	v10 =	vld [tilespmem:s11+$0xFFFFFFF0];
	_ =	sdelay $0x3  }
0x166: {  	[tilespmem:v14+s23+$0x0] =	vst.idx.msk $0xffff, v11  }
0x167: {  	v61 =	vadd.s32 v2, v5;
	v11 =	vld [tilespmem:s1+$0x0];
	[tilespmem:v60+s23+$0x0] =	vst.idx.msk $0xffff, v10  }
0x168: {  	v62 =	vadd.s32 v2, v6;
	v10 =	vld [tilespmem:s11+$0x0];
	_ =	sdelay $0x2  }
0x169: {  	[tilespmem:v12+s23+$0x0] =	vst.idx.msk $0xffff, v9  }
0x16a: {  	v4 =	vadd.s32 v3, v4;
	v9 =	vld [tilespmem:s0+$0x10];
	[tilespmem:v61+s23+$0x0] =	vst.idx.msk $0xffff, v11  }
0x16b: {  	v5 =	vadd.s32 v3, v5;
	v11 =	vld [tilespmem:s1+$0x10];
	[tilespmem:v62+s23+$0x0] =	vst.idx.msk $0xffff, v10  }
0x16c: {  	v63 =	vadd.s32 v3, v6;
	v10 =	vld [tilespmem:s11+$0x10]  }
0x16d: {  	s13 =	sadd.s32 s5, s10  }
0x16e: {  	s14 =	sshll.u32 s13, $0x7;
	[tilespmem:v8+s23+$0x0] =	vst.idx.msk $0xffff, v7  }
0x16f: {  	s0 =	sshll.u32 s13, $0xA;
	[tilespmem:v4+s23+$0x0] =	vst.idx.msk $0xffff, v9;
	s1 =	sand.u32 $0xF80, s14  }
0x170: {  	s0 =	sand.u32 $0xFFF8000, s0;
	s1 =	sadd.s32 s2, s1;
	[tilespmem:v5+s23+$0x0] =	vst.idx.msk $0xffff, v11  }
0x171: {  	s31 =	simm.s32 $0x14A00;
	s1 =	sadd.s32 s0, s1;
	[tilespmem:v63+s23+$0x0] =	vst.idx.msk $0xffff, v10  }
0x172: {  	[hbm4b:s1+s3] =	stream.linear.scatter [tilespmem:s31], [sflag:$0x8], $0x80, $0x38;
	[tilespmem:$0x16C00] =	vst v63  }
0x173: {  	s10 =	simm.s32 $0x14A88;
	s11 =	sadd.s32 $0x10, s1  }
0x174: {  	[hbm4b:s11+s3] =	stream.linear.scatter [tilespmem:s10], [sflag:$0x8], $0x80, $0x38;
	[tilespmem:$0x16C00] =	vst v63  }
0x175: {  	s12 =	simm.s32 $0x14B10;
	s14 =	simm.s32 $0x14B98;
	s13 =	sadd.s32 $0x20, s1  }
0x176: {  	[hbm4b:s13+s3] =	stream.linear.scatter [tilespmem:s12], [sflag:$0x8], $0x80, $0x38;
	[tilespmem:$0x16C00] =	vst v63  }
0x177: {  	s0 =	simm.s32 $0x440;
	s31 =	sadd.s32 $0x30, s1;
	s10 =	simm.s32 $0x14C20  }
0x178: {  	[hbm4b:s31+s3] =	stream.linear.scatter [tilespmem:s14], [sflag:$0x8], $0x80, $0x38;
	[tilespmem:$0x16C00] =	vst v63  }
0x179: {  	s11 =	sadd.s32 $0x40, s1;
	s12 =	simm.s32 $0x14CA8;
	s13 =	sadd.s32 $0x50, s1  }
0x17a: {  	[hbm4b:s11+s3] =	stream.linear.scatter [tilespmem:s10], [sflag:$0x8], $0x80, $0x38;
	[tilespmem:$0x16C00] =	vst v63  }
0x17b: {  	s14 =	simm.s32 $0x14D30;
	s31 =	sadd.s32 $0x60, s1;
	s10 =	simm.s32 $0x2200  }
0x17c: {  	[hbm4b:s13+s3] =	stream.linear.scatter [tilespmem:s12], [sflag:$0x8], $0x80, $0x38;
	[tilespmem:$0x16C00] =	vst v63  }
0x17d: {  	s11 =	simm.s32 $0x14DB8;
	s12 =	sadd.s32 $0x70, s1;
	s1 =	sadd.s32 $0x1000, s1  }
0x17e: {  	[hbm4b:s31+s3] =	stream.linear.scatter [tilespmem:s14], [sflag:$0x8], $0x80, $0x38;
	[tilespmem:$0x16C00] =	vst v63  }
.LBB2_17:
0x17f: {  	[hbm4b:s12+s3] =	stream.linear.scatter [tilespmem:s11], [sflag:$0x8], $0x80, $0x38;
	[tilespmem:$0x16C00] =	vst v63  }
0x180: {  	s11 =	smov.u32 s0;
	s0 =	smov.u32 s10  }
0x181: {  	s13 =	sadd.s32 $0x1100, s10;
	s0 =	sshra.s32 s0, $0x2;
	s12 =	sadd.s32 $0x14A00, s11  }
0x182: {  	[hbm4b:s1+s3] =	stream.linear.scatter [tilespmem:s12], [sflag:$0x8], $0x80, $0x38;
	[tilespmem:$0x16C00] =	vst v63  }
0x183: {  	p0 =	sne.s32 s10, $0x7700;
	s10 =	sadd.s32 $0x14A88, s11;
	s12 =	sadd.s32 $0x10, s1  }
0x184: {  	[hbm4b:s12+s3] =	stream.linear.scatter [tilespmem:s10], [sflag:$0x8], $0x80, $0x38;
	[tilespmem:$0x16C00] =	vst v63  }
0x185: {  	s10 =	sadd.s32 $0x14B10, s11;
	s12 =	sadd.s32 $0x20, s1  }
0x186: {  	[hbm4b:s12+s3] =	stream.linear.scatter [tilespmem:s10], [sflag:$0x8], $0x80, $0x38;
	[tilespmem:$0x16C00] =	vst v63  }
0x187: {  	s10 =	sadd.s32 $0x14B98, s11;
	s12 =	sadd.s32 $0x30, s1  }
0x188: {  	[hbm4b:s12+s3] =	stream.linear.scatter [tilespmem:s10], [sflag:$0x8], $0x80, $0x38;
	[tilespmem:$0x16C00] =	vst v63  }
0x189: {  	s10 =	sadd.s32 $0x14C20, s11;
	s12 =	sadd.s32 $0x40, s1  }
0x18a: {  	[hbm4b:s12+s3] =	stream.linear.scatter [tilespmem:s10], [sflag:$0x8], $0x80, $0x38;
	[tilespmem:$0x16C00] =	vst v63  }
.Ltmp9:
0x18b: {  	s10 =	sadd.s32 $0x14CA8, s11;
	s12 =	sadd.s32 $0x50, s1;
	(pc) =	sbr.rel @p0 .LBB2_17-.Ltmp9, $4  }
0x18c: {  	[hbm4b:s12+s3] =	stream.linear.scatter [tilespmem:s10], [sflag:$0x8], $0x80, $0x38;
	[tilespmem:$0x16C00] =	vst v63  }
0x18d: {  	s10 =	sadd.s32 $0x14D30, s11;
	s12 =	sadd.s32 $0x60, s1;
	s11 =	sadd.s32 $0x14DB8, s11  }
0x18e: {  	[hbm4b:s12+s3] =	stream.linear.scatter [tilespmem:s10], [sflag:$0x8], $0x80, $0x38;
	[tilespmem:$0x16C00] =	vst v63  }
0x18f: {  	s12 =	sadd.s32 $0x70, s1;
	s1 =	sadd.s32 $0x1000, s1;
	s10 =	smov.u32 s13  }
0x190: {  	[hbm4b:s12+s3] =	stream.linear.scatter [tilespmem:s11], [sflag:$0x8], $0x80, $0x38;
	[tilespmem:$0x16C00] =	vst v63  }
0x191: {  	s10 =	sadd.s32 $0x14A00, s0  }
0x192: {  	[hbm4b:s1+s3] =	stream.linear.scatter [tilespmem:s10], [sflag:$0x8], $0x80, $0x38;
	[tilespmem:$0x16C00] =	vst v63  }
0x193: {  	s14 =	sadd.s32 $0x14A88, s0;
	s31 =	sadd.s32 $0x10, s1  }
0x194: {  	[hbm4b:s31+s3] =	stream.linear.scatter [tilespmem:s14], [sflag:$0x8], $0x80, $0x38;
	[tilespmem:$0x16C00] =	vst v63  }
0x195: {  	s12 =	sadd.s32 $0x14B10, s0;
	s13 =	sadd.s32 $0x20, s1  }
0x196: {  	[hbm4b:s13+s3] =	stream.linear.scatter [tilespmem:s12], [sflag:$0x8], $0x80, $0x38;
	[tilespmem:$0x16C00] =	vst v63  }
0x197: {  	s14 =	sadd.s32 $0x14B98, s0;
	s31 =	sadd.s32 $0x30, s1  }
0x198: {  	[hbm4b:s31+s3] =	stream.linear.scatter [tilespmem:s14], [sflag:$0x8], $0x80, $0x38;
	[tilespmem:$0x16C00] =	vst v63  }
0x199: {  	s12 =	sadd.s32 $0x14C20, s0;
	s13 =	sadd.s32 $0x40, s1  }
0x19a: {  	[hbm4b:s13+s3] =	stream.linear.scatter [tilespmem:s12], [sflag:$0x8], $0x80, $0x38;
	[tilespmem:$0x16C00] =	vst v63  }
0x19b: {  	s14 =	sadd.s32 $0x14CA8, s0;
	s31 =	sadd.s32 $0x50, s1  }
0x19c: {  	[hbm4b:s31+s3] =	stream.linear.scatter [tilespmem:s14], [sflag:$0x8], $0x80, $0x38;
	[tilespmem:$0x16C00] =	vst v63  }
.Ltmp10:
0x19d: {  	_ = 	snop;
	(pc) =	sbr.rel @p1 .LBB2_20-.Ltmp10, $4  }
0x19e: {  	s12 =	sadd.s32 $0x14D30, s0;
	s13 =	sadd.s32 $0x60, s1  }
0x19f: {  	[hbm4b:s13+s3] =	stream.linear.scatter [tilespmem:s12], [sflag:$0x8], $0x80, $0x38;
	[tilespmem:$0x16C00] =	vst v63  }
0x1a0: {  	s14 =	sadd.s32 $0x14DB8, s0;
	s31 =	sadd.s32 $0x70, s1  }
0x1a1: {  	[hbm4b:s31+s3] =	stream.linear.scatter [tilespmem:s14], [sflag:$0x8], $0x80, $0x38;
	[tilespmem:$0x16C00] =	vst v63  }
.Ltmp11:
0x1a2: {  	(pc) =	sbr.rel .LBB2_2-.Ltmp11, $4  }
0x1a3: {  	s0 =	sshll.u32 s30, $0x9  }
0x1a4: {  	s0 =	sand.u32 $0x3FFFFE00, s0  }
0x1a5: {  	s30 =	sadd.s32 $0x1, s30;
	s0 =	sadd.s32 $0x380, s0  }
0x1a6: {  	[tilespmem:s15], [sflag:$0x4] =	stream.indirect.gather [hbm4b:s4+s9], $0x40, s0, s9, $0xb8;
	[tilespmem:$0x16C00] =	vst v63  }
.LBB2_21:
0x1a7: {  	_ =	sfence.sel $0x180000  }
0x1a8: {  	[bflag:$0x0] =	sbarrier.arrive $0xFFFF  }
0x1a9: {  	_ =	strace $0x90000047  }
0x1aa: {  	s0 =	stileid.u32;
	[bflag:$0x2] =	sbarrier.arrive $0xFFFF  }
0x1ab: {  	p0 =	sne.s32 s0, $0x0;
	s0 =	rddreg [dreg:$0x2]  }
0x1ac: {  	s0 =	sadd.s32 @!p0 $0x100000, s0  }
0x1ad: {  	[sflag:s0] =	ssyncadd.tile.s32 @!p0 $0x1;
	_ =	shalt  }
.Lfunc_end2:
_tile_overlayer_lowered:
.L_overlay_start_2:
0x1ae: {  	(tag) =	ssettag $0x2  }
0x1af: {  	s0 =	rddreg [dreg:$0x0];
	s2 =	stileid.u32  }
0x1b0: {  	s1 =	rddreg [dreg:$0x1];
	p0 =	sne.s32 s2, $0x0  }
0x1b1: {  	s3 =	rddreg [dreg:$0x2];
	[bflag:$0x3] =	sbarrier.arrive $0xFFFF;
	s2 =	simm.s32 @!p0 $0x1C09  }
0x1b2: {  	[timem:s3], [sflag:s2] =	dma.local @!p0 [hbm:s0], s1  }
0x1b3: {  	s0 =	simm.s32 @!p0 $0x9  }
0x1b4: {  	_ =	swait.ge @!p0 [sflag:s0], s1  }
0x1b5: {  	s1 =	ssub.s32 @!p0 $0x0, s1;
	[sflag:s0] =	ssyncset.done @!p0 $0x0  }
0x1b6: {  	[sflag:s0] =	ssyncadd.s32 @!p0 s1  }
0x1b7: {  	[bflag:$0x3] =	sbarrier.arrive $0xFFFF  }
0x1b8: {  	_ =	shalt  }

</sc_bundles>
